<compile_context>
chip_gen: v7x
topology: tpu7x:2x2x1
jax: 0.10.2.dev20260603
libtpu: 0.0.44.dev20260713+nightly
codegen_flags: <defaults>
</compile_context>

<pallas_src>
import functools

import jax
import jax.numpy as jnp
from jax import lax
from jax.experimental import pallas as pl
from jax.experimental.pallas import tpu as pltpu
from jax.experimental.pallas import tpu_sc as plsc

N = 10000
E = 320000
D = 128

NC = 2
NS = 16
NW = NC * NS
EPW = E // NW
C = 125
NCHUNK = EPW // C
NPAD = 10240
RPT = NPAD // NS

_MESH = dict(core_axis_name="c", subcore_axis_name="s")


def _worker_ids():
    c = lax.axis_index("c")
    s = lax.axis_index("s")
    return c, s, c * NS + s


@functools.partial(
    pl.kernel,
    out_type=jax.ShapeDtypeStruct((2 * NPAD, 16), jnp.float32),
    mesh=plsc.VectorSubcoreMesh(**_MESH),
    scratch_types=[
        pltpu.VMEM((NCHUNK, C), jnp.int32),
        pltpu.VMEM((C, 16), jnp.float32),
        pltpu.VMEM_SHARED((NPAD, 16), jnp.float32),
    ],
    compiler_params=pltpu.CompilerParams(use_tc_tiling_on_sc=False),
)
def _sc_degree(dst_h, ones_h, zeros_h, out_h, idx_v, ones_v, acc):
    c, s, wid = _worker_ids()
    pltpu.sync_copy(dst_h.at[wid], idx_v)
    pltpu.sync_copy(ones_h, ones_v)
    pltpu.sync_copy(zeros_h, acc.at[pl.ds(s * RPT, RPT)])
    plsc.subcore_barrier()

    def body(j, carry):
        pltpu.sync_copy(ones_v, acc.at[idx_v.at[j]], add=True)
        return carry

    lax.fori_loop(0, NCHUNK, body, 0)
    plsc.subcore_barrier()
    pltpu.sync_copy(acc.at[pl.ds(s * RPT, RPT)],
                    out_h.at[pl.ds(c * NPAD + s * RPT, RPT)])


def _make_sc_msg(d):
    @functools.partial(
        pl.kernel,
        out_type=jax.ShapeDtypeStruct((2 * NPAD, d), jnp.float32),
        mesh=plsc.VectorSubcoreMesh(**_MESH),
        scratch_types=[
            pltpu.VMEM((NCHUNK, C), jnp.int32),
            pltpu.VMEM((NCHUNK, C), jnp.int32),
            pltpu.VMEM((C, d), jnp.float32),
            pltpu.VMEM_SHARED((NPAD, d), jnp.float32),
            pltpu.SemaphoreType.DMA,
        ],
        compiler_params=pltpu.CompilerParams(use_tc_tiling_on_sc=False),
    )
    def msg(src_h, dst_h, g_h, zeros_h, out_h, src_v, dst_v, rows_v, acc, sem):
        c, s, wid = _worker_ids()
        pltpu.sync_copy(src_h.at[wid], src_v)
        pltpu.sync_copy(dst_h.at[wid], dst_v)
        pltpu.sync_copy(zeros_h, acc.at[pl.ds(s * RPT, RPT)])
        plsc.subcore_barrier()

        def body(j, carry):
            pltpu.async_copy(g_h.at[src_v.at[j]], rows_v, sem).wait()
            pltpu.sync_copy(rows_v, acc.at[dst_v.at[j]], add=True)
            return carry

        lax.fori_loop(0, NCHUNK, body, 0)
        plsc.subcore_barrier()
        pltpu.sync_copy(acc.at[pl.ds(s * RPT, RPT)],
                        out_h.at[pl.ds(c * NPAD + s * RPT, RPT)])

    return msg


_SC_MSG128 = _make_sc_msg(D)
_SC_MSG64 = _make_sc_msg(D // 2)


BLK = 400
GRID = (N // BLK,)


def _dis(degs_ref):
    deg = degs_ref[0, :, 0:1] + degs_ref[1, :, 0:1] + 1.0
    return lax.rsqrt(deg)


def _row(i):
    return (i, 0)


def _full2(i):
    return (0, 0)


def _parts(i):
    return (0, i, 0)


_SPEC_DEGS = pl.BlockSpec((2, BLK, 16), _parts)


def _tc_stage1_body(x_ref, xt_ref, w1_ref, wp_ref, bp_ref, degs_ref,
                    g1_ref, ppr_ref):
    dis = _dis(degs_ref)
    g1_ref[...] = dis * jnp.dot(x_ref[...], w1_ref[...],
                                preferred_element_type=jnp.float32)
    ppr_ref[...] = jax.nn.relu(
        jnp.dot(xt_ref[...], wp_ref[...], preferred_element_type=jnp.float32)
        + bp_ref[...])


def _tc_stage1(x, xt, w1, wp, bp, degs):
    return pl.pallas_call(
        _tc_stage1_body,
        grid=GRID,
        in_specs=[
            pl.BlockSpec((BLK, D), _row),
            pl.BlockSpec((BLK, 10), _row),
            pl.BlockSpec((D, D), _full2),
            pl.BlockSpec((10, 32), _full2),
            pl.BlockSpec((1, 32), _full2),
            _SPEC_DEGS,
        ],
        out_specs=[
            pl.BlockSpec((BLK, D), _row),
            pl.BlockSpec((BLK, 32), _row),
        ],
        out_shape=[
            jax.ShapeDtypeStruct((N, D), jnp.float32),
            jax.ShapeDtypeStruct((N, 32), jnp.float32),
        ],
    )(x, xt, w1, wp, bp, degs)


def _tc_combine_body(p_ref, g_ref, b_ref, w_ref, degs_ref, out_ref):
    dis = _dis(degs_ref)
    a = jax.nn.relu(dis * (p_ref[0] + p_ref[1] + g_ref[...]) + b_ref[...])
    out_ref[...] = dis * jnp.dot(a, w_ref[...],
                                 preferred_element_type=jnp.float32)


def _tc_combine(p, g, b, w, degs):
    din = g.shape[1]
    dout = w.shape[1]
    return pl.pallas_call(
        _tc_combine_body,
        grid=GRID,
        in_specs=[
            pl.BlockSpec((2, BLK, din), _parts),
            pl.BlockSpec((BLK, din), _row),
            pl.BlockSpec((1, din), _full2),
            pl.BlockSpec((din, dout), _full2),
            _SPEC_DEGS,
        ],
        out_specs=pl.BlockSpec((BLK, dout), _row),
        out_shape=jax.ShapeDtypeStruct((N, dout), jnp.float32),
    )(p, g, b, w, degs)


def _tc_head_body(p_ref, g_ref, b3_ref, ppr_ref, wf1_ref, wf2_ref, bf_ref,
                  wr_ref, br_ref, degs_ref, out_ref):
    dis = _dis(degs_ref)
    h3 = jax.nn.relu(dis * (p_ref[0] + p_ref[1] + g_ref[...]) + b3_ref[...])
    fused = jax.nn.relu(
        jnp.dot(h3, wf1_ref[...], preferred_element_type=jnp.float32)
        + jnp.dot(ppr_ref[...], wf2_ref[...], preferred_element_type=jnp.float32)
        + bf_ref[...])
    out_ref[...] = jax.nn.sigmoid(
        jnp.dot(fused, wr_ref[...], preferred_element_type=jnp.float32)
        + br_ref[...])


def _tc_head(p, g, b3, ppr, wf1, wf2, bf, wr, br, degs):
    h = D // 2
    return pl.pallas_call(
        _tc_head_body,
        grid=GRID,
        in_specs=[
            pl.BlockSpec((2, BLK, h), _parts),
            pl.BlockSpec((BLK, h), _row),
            pl.BlockSpec((1, h), _full2),
            pl.BlockSpec((BLK, 32), _row),
            pl.BlockSpec((h, h), _full2),
            pl.BlockSpec((32, h), _full2),
            pl.BlockSpec((1, h), _full2),
            pl.BlockSpec((h, 1), _full2),
            pl.BlockSpec((1, 1), _full2),
            _SPEC_DEGS,
        ],
        out_specs=pl.BlockSpec((BLK, 1), _row),
        out_shape=jax.ShapeDtypeStruct((N, 1), jnp.float32),
    )(p, g, b3, ppr, wf1, wf2, bf, wr, br, degs)


def kernel(x, edge_index, W1, b1, W2, b2, W3, b3, Wp, bp, Wf, bf, Wr, br):
    src3 = edge_index[0].reshape(NW, NCHUNK, C)
    dst3 = edge_index[1].reshape(NW, NCHUNK, C)
    xt = x[:, D - 10:]
    ones16 = jnp.ones((C, 16), jnp.float32)
    zeros16 = jnp.zeros((RPT, 16), jnp.float32)
    zeros128 = jnp.zeros((RPT, D), jnp.float32)
    zeros64 = jnp.zeros((RPT, D // 2), jnp.float32)

    degs = _sc_degree(dst3, ones16, zeros16).reshape(2, NPAD, 16)

    g1, ppr = _tc_stage1(x, xt, W1, Wp, bp.reshape(1, 32), degs)
    p1 = _SC_MSG128(src3, dst3, g1, zeros128).reshape(2, NPAD, D)
    g2 = _tc_combine(p1, g1, b1.reshape(1, D), W2, degs)
    p2 = _SC_MSG128(src3, dst3, g2, zeros128).reshape(2, NPAD, D)
    g3 = _tc_combine(p2, g2, b2.reshape(1, D), W3, degs)
    p3 = _SC_MSG64(src3, dst3, g3, zeros64).reshape(2, NPAD, D // 2)

    out = _tc_head(p3, g3, b3.reshape(1, D // 2), ppr,
                   Wf[:D // 2], Wf[D // 2:], bf.reshape(1, D // 2),
                   Wr, br.reshape(1, 1), degs)
    return out.reshape(N)

# --- scband reference (transcript-rebuilt; emitter-appended) ---
"""Pipeline reference for scband-personalized-page-rank-gcn-64192581206382 (READ-ONLY COPY).

The authoritative reference and input builder live on the scoring server;
editing this copy changes nothing except your own understanding.
"""

import jax, jax.numpy as jnp
import numpy as np

N = 10000
E = 320000
D = 128
H = 128


def gcn_conv(x, src, dst, W, b):
    n = x.shape[0]
    loop = jnp.arange(n, dtype=src.dtype)
    s = jnp.concatenate([src, loop])
    d = jnp.concatenate([dst, loop])
    deg = jnp.zeros((n,), x.dtype).at[d].add(1.0)
    dis = jnp.where(deg > 0, jax.lax.rsqrt(jnp.maximum(deg, 1e-12)), 0.0)
    norm = dis[s] * dis[d]
    h = x @ W
    msg = h[s] * norm[:, None]
    out = jnp.zeros((n, W.shape[1]), x.dtype).at[d].add(msg)
    return out + b


def setup_inputs(seed: int = 0):
    key = jax.random.key(seed)
    ks = jax.random.split(key, 16)
    x = jax.random.normal(ks[0], (N, D), dtype=jnp.float32)
    edge_index = jax.random.randint(ks[1], (2, E), 0, N, dtype=jnp.int32)
    def w(k, shape):
        fan_in = shape[0]
        return jax.random.normal(k, shape, dtype=jnp.float32) * (1.0 / np.sqrt(fan_in))
    params = {
        'W1': w(ks[2], (D, H)), 'b1': jnp.zeros((H,), jnp.float32),
        'W2': w(ks[3], (H, H)), 'b2': jnp.zeros((H,), jnp.float32),
        'W3': w(ks[4], (H, H // 2)), 'b3': jnp.zeros((H // 2,), jnp.float32),
        'Wp': w(ks[5], (10, H // 4)), 'bp': jnp.zeros((H // 4,), jnp.float32),
        'Wf': w(ks[6], (H // 2 + H // 4, H // 2)), 'bf': jnp.zeros((H // 2,), jnp.float32),
        'Wr': w(ks[7], (H // 2, 1)), 'br': jnp.zeros((1,), jnp.float32),
    }
    return {'x': x, 'edge_index': edge_index, **params}


def reference(x, edge_index, W1, b1, W2, b2, W3, b3, Wp, bp, Wf, bf, Wr, br):
    # task='regression' path; dropout is identity in eval mode
    src, dst = edge_index[0], edge_index[1]
    h = jax.nn.relu(gcn_conv(x, src, dst, W1, b1))
    h = jax.nn.relu(gcn_conv(h, src, dst, W2, b2))
    h = jax.nn.relu(gcn_conv(h, src, dst, W3, b3))
    ppr = jax.nn.relu(x[:, -10:] @ Wp + bp)
    comb = jnp.concatenate([h, ppr], axis=1)
    fused = jax.nn.relu(comb @ Wf + bf)
    out = fused @ Wr + br
    return jax.nn.sigmoid(out).squeeze()

if __name__ == "__main__":
    import jax
    _d = setup_inputs()
    print(jax.jit(kernel)(*tuple(_d.values())))

</pallas_src>

<mosaic_0001>
#map = affine_map<(d0, d1) -> (0, 0, 0)>
#map1 = affine_map<(d0, d1) -> (0, 0)>
module attributes {stable_mosaic.version = 14 : i64} {
  func.func @msg(%arg0: i32, %arg1: i32, %arg2: memref<32x80x125xi32, #tpu.memory_space<hbm>>, %arg3: memref<32x80x125xi32, #tpu.memory_space<hbm>>, %arg4: memref<10000x128xf32, #tpu.memory_space<hbm>>, %arg5: memref<640x128xf32, #tpu.memory_space<hbm>>, %arg6: memref<20480x128xf32, #tpu.memory_space<hbm>>, %arg7: memref<80x125xi32, #tpu.memory_space<vmem>>, %arg8: memref<80x125xi32, #tpu.memory_space<vmem>>, %arg9: memref<125x128xf32, #tpu.memory_space<vmem>>, %arg10: memref<10240x128xf32, #tpu.memory_space<vmem_shared>>, %arg11: memref<!tpu.dma_semaphore, #tpu.memory_space<semaphore_mem>>) attributes {dimension_semantics = [#tpu.dimension_semantics<core_parallel>, #tpu.dimension_semantics<subcore_parallel>], iteration_bounds = array<i64: 2, 16>, scalar_prefetch = 0 : i64, scratch_operands = 5 : i64, tpu.core_type = #tpu.core_type<sc_vector_subcore>, window_params = [{transform_indices = #map}, {transform_indices = #map}, {transform_indices = #map1}, {transform_indices = #map1}, {transform_indices = #map1}]} {
    %mul3A = arith.constant 16 : i32
    %mul3A_0 = arith.muli %arg0, %mul3A : i32
    %add3A = arith.addi %mul3A_0, %arg1 : i32
    "tpu.region"() ({
      %run_scoped3A = tpu.sem_alloc : memref<!tpu.dma_semaphore, #tpu.memory_space<semaphore_mem>>
      %dma_start3A = arith.constant 0 : i32
      %dma_start3A_16 = arith.constant 0 : i32
      %dma_start3A_17 = tpu.memref_slice %arg2[%add3A, %dma_start3A, %dma_start3A_16] : memref<32x80x125xi32, #tpu.memory_space<hbm>> -> memref<1x80x125xi32, #tpu.memory_space<hbm>>
      %dma_start3A_18 = tpu.memref_squeeze %dma_start3A_17 : memref<1x80x125xi32, #tpu.memory_space<hbm>> -> memref<80x125xi32, #tpu.memory_space<hbm>>
      %dma_start3A_19 = arith.constant 0 : i32
      %dma_start3A_20 = arith.constant 0 : i32
      %dma_start3A_21 = tpu.memref_slice %arg2[%add3A, %dma_start3A_19, %dma_start3A_20] : memref<32x80x125xi32, #tpu.memory_space<hbm>> -> memref<1x80x125xi32, #tpu.memory_space<hbm>>
      %dma_start3A_22 = tpu.memref_squeeze %dma_start3A_21 : memref<1x80x125xi32, #tpu.memory_space<hbm>> -> memref<80x125xi32, #tpu.memory_space<hbm>>
      tpu.enqueue_dma source(%dma_start3A_22 : memref<80x125xi32, #tpu.memory_space<hbm>>) target(%arg7 : memref<80x125xi32, #tpu.memory_space<vmem>>) target_semaphore(%run_scoped3A : memref<!tpu.dma_semaphore, #tpu.memory_space<semaphore_mem>>)
      %dma_wait3A = arith.constant 0 : i32
      %dma_wait3A_23 = arith.constant 0 : i32
      %dma_wait3A_24 = tpu.memref_slice %arg2[%add3A, %dma_wait3A, %dma_wait3A_23] : memref<32x80x125xi32, #tpu.memory_space<hbm>> -> memref<1x80x125xi32, #tpu.memory_space<hbm>>
      %dma_wait3A_25 = tpu.memref_squeeze %dma_wait3A_24 : memref<1x80x125xi32, #tpu.memory_space<hbm>> -> memref<80x125xi32, #tpu.memory_space<hbm>>
      %dma_wait3A_26 = arith.constant 0 : i32
      %dma_wait3A_27 = arith.constant 0 : i32
      %dma_wait3A_28 = tpu.memref_slice %arg2[%add3A, %dma_wait3A_26, %dma_wait3A_27] : memref<32x80x125xi32, #tpu.memory_space<hbm>> -> memref<1x80x125xi32, #tpu.memory_space<hbm>>
      %dma_wait3A_29 = tpu.memref_squeeze %dma_wait3A_28 : memref<1x80x125xi32, #tpu.memory_space<hbm>> -> memref<80x125xi32, #tpu.memory_space<hbm>>
      tpu.wait_dma2 semaphore(%run_scoped3A : memref<!tpu.dma_semaphore, #tpu.memory_space<semaphore_mem>>) src(%dma_wait3A_29 : memref<80x125xi32, #tpu.memory_space<hbm>>) dst(%arg7 : memref<80x125xi32, #tpu.memory_space<vmem>>)
      tpu.yield
    }) : () -> ()
    "tpu.region"() ({
      %run_scoped3A = tpu.sem_alloc : memref<!tpu.dma_semaphore, #tpu.memory_space<semaphore_mem>>
      %dma_start3A = arith.constant 0 : i32
      %dma_start3A_16 = arith.constant 0 : i32
      %dma_start3A_17 = tpu.memref_slice %arg3[%add3A, %dma_start3A, %dma_start3A_16] : memref<32x80x125xi32, #tpu.memory_space<hbm>> -> memref<1x80x125xi32, #tpu.memory_space<hbm>>
      %dma_start3A_18 = tpu.memref_squeeze %dma_start3A_17 : memref<1x80x125xi32, #tpu.memory_space<hbm>> -> memref<80x125xi32, #tpu.memory_space<hbm>>
      %dma_start3A_19 = arith.constant 0 : i32
      %dma_start3A_20 = arith.constant 0 : i32
      %dma_start3A_21 = tpu.memref_slice %arg3[%add3A, %dma_start3A_19, %dma_start3A_20] : memref<32x80x125xi32, #tpu.memory_space<hbm>> -> memref<1x80x125xi32, #tpu.memory_space<hbm>>
      %dma_start3A_22 = tpu.memref_squeeze %dma_start3A_21 : memref<1x80x125xi32, #tpu.memory_space<hbm>> -> memref<80x125xi32, #tpu.memory_space<hbm>>
      tpu.enqueue_dma source(%dma_start3A_22 : memref<80x125xi32, #tpu.memory_space<hbm>>) target(%arg8 : memref<80x125xi32, #tpu.memory_space<vmem>>) target_semaphore(%run_scoped3A : memref<!tpu.dma_semaphore, #tpu.memory_space<semaphore_mem>>)
      %dma_wait3A = arith.constant 0 : i32
      %dma_wait3A_23 = arith.constant 0 : i32
      %dma_wait3A_24 = tpu.memref_slice %arg3[%add3A, %dma_wait3A, %dma_wait3A_23] : memref<32x80x125xi32, #tpu.memory_space<hbm>> -> memref<1x80x125xi32, #tpu.memory_space<hbm>>
      %dma_wait3A_25 = tpu.memref_squeeze %dma_wait3A_24 : memref<1x80x125xi32, #tpu.memory_space<hbm>> -> memref<80x125xi32, #tpu.memory_space<hbm>>
      %dma_wait3A_26 = arith.constant 0 : i32
      %dma_wait3A_27 = arith.constant 0 : i32
      %dma_wait3A_28 = tpu.memref_slice %arg3[%add3A, %dma_wait3A_26, %dma_wait3A_27] : memref<32x80x125xi32, #tpu.memory_space<hbm>> -> memref<1x80x125xi32, #tpu.memory_space<hbm>>
      %dma_wait3A_29 = tpu.memref_squeeze %dma_wait3A_28 : memref<1x80x125xi32, #tpu.memory_space<hbm>> -> memref<80x125xi32, #tpu.memory_space<hbm>>
      tpu.wait_dma2 semaphore(%run_scoped3A : memref<!tpu.dma_semaphore, #tpu.memory_space<semaphore_mem>>) src(%dma_wait3A_29 : memref<80x125xi32, #tpu.memory_space<hbm>>) dst(%arg8 : memref<80x125xi32, #tpu.memory_space<vmem>>)
      tpu.yield
    }) : () -> ()
    %mul3A_1 = arith.constant 640 : i32
    %mul3A_2 = arith.muli %arg1, %mul3A_1 : i32
    "tpu.region"() ({
      %run_scoped3A = tpu.sem_alloc : memref<!tpu.dma_semaphore, #tpu.memory_space<semaphore_mem>>
      %dma_start3A = arith.constant 0 : i32
      %dma_start3A_16 = tpu.memref_slice %arg10[%mul3A_2, %dma_start3A] : memref<10240x128xf32, #tpu.memory_space<vmem_shared>> -> memref<640x128xf32, #tpu.memory_space<vmem_shared>>
      tpu.enqueue_dma source(%arg5 : memref<640x128xf32, #tpu.memory_space<hbm>>) target(%dma_start3A_16 : memref<640x128xf32, #tpu.memory_space<vmem_shared>>) target_semaphore(%run_scoped3A : memref<!tpu.dma_semaphore, #tpu.memory_space<semaphore_mem>>)
      %dma_wait3A = arith.constant 0 : i32
      %dma_wait3A_17 = tpu.memref_slice %arg10[%mul3A_2, %dma_wait3A] : memref<10240x128xf32, #tpu.memory_space<vmem_shared>> -> memref<640x128xf32, #tpu.memory_space<vmem_shared>>
      tpu.wait_dma2 semaphore(%run_scoped3A : memref<!tpu.dma_semaphore, #tpu.memory_space<semaphore_mem>>) src(%arg5 : memref<640x128xf32, #tpu.memory_space<hbm>>) dst(%dma_wait3A_17 : memref<640x128xf32, #tpu.memory_space<vmem_shared>>)
      tpu.yield
    }) : () -> ()
    %barrier3A = arith.constant 0 : index
    tpu.barrier barrier_id(%barrier3A)
    %scan3A = arith.constant 0 : i32
    %scan3A_3 = arith.constant 0 : i32
    %scan3A_4 = arith.constant 80 : i32
    %scan3A_5 = arith.addi %scan3A_3, %scan3A_4 : i32
    %scan3A_6 = arith.constant 1 : i32
    scf.for %scan3A_16 = %scan3A_3 to %scan3A_5 step %scan3A_6  : i32 {
      %dma_start3A = arith.constant 0 : i32
      %dma_start3A_17 = tpu.memref_slice %arg7[%scan3A_16, %dma_start3A] : memref<80x125xi32, #tpu.memory_space<vmem>> -> memref<1x125xi32, #tpu.memory_space<vmem>>
      %dma_start3A_18 = tpu.memref_squeeze %dma_start3A_17 : memref<1x125xi32, #tpu.memory_space<vmem>> -> memref<125xi32, #tpu.memory_space<vmem>>
      %dma_start3A_19 = arith.constant 0 : i32
      %dma_start3A_20 = arith.constant 0 : i32
      %dma_start3A_21 = tpu.memref_slice %arg4[%dma_start3A_19, %dma_start3A_20] : memref<10000x128xf32, #tpu.memory_space<hbm>> -> memref<10000x128xf32, #tpu.memory_space<hbm>>
      tpu.enqueue_indirect_dma source(%dma_start3A_21 : memref<10000x128xf32, #tpu.memory_space<hbm>>) target(%arg9 : memref<125x128xf32, #tpu.memory_space<vmem>>) offsets(%dma_start3A_18 : memref<125xi32, #tpu.memory_space<vmem>>) semaphore(%arg11 : memref<!tpu.dma_semaphore, #tpu.memory_space<semaphore_mem>>)
      %dma_wait3A = arith.constant 0 : i32
      %dma_wait3A_22 = tpu.memref_slice %arg7[%scan3A_16, %dma_wait3A] : memref<80x125xi32, #tpu.memory_space<vmem>> -> memref<1x125xi32, #tpu.memory_space<vmem>>
      %dma_wait3A_23 = tpu.memref_squeeze %dma_wait3A_22 : memref<1x125xi32, #tpu.memory_space<vmem>> -> memref<125xi32, #tpu.memory_space<vmem>>
      %dma_wait3A_24 = arith.constant 0 : i32
      %dma_wait3A_25 = arith.constant 0 : i32
      %dma_wait3A_26 = tpu.memref_slice %arg4[%dma_wait3A_24, %dma_wait3A_25] : memref<10000x128xf32, #tpu.memory_space<hbm>> -> memref<10000x128xf32, #tpu.memory_space<hbm>>
      tpu.wait_indirect_dma semaphore(%arg11 : memref<!tpu.dma_semaphore, #tpu.memory_space<semaphore_mem>>) src(%dma_wait3A_26 : memref<10000x128xf32, #tpu.memory_space<hbm>>) dst(%arg9 : memref<125x128xf32, #tpu.memory_space<vmem>>)
      "tpu.region"() ({
        %run_scoped3A = tpu.sem_alloc : memref<!tpu.dma_semaphore, #tpu.memory_space<semaphore_mem>>
        %dma_start3A_27 = arith.constant 0 : i32
        %dma_start3A_28 = tpu.memref_slice %arg8[%scan3A_16, %dma_start3A_27] : memref<80x125xi32, #tpu.memory_space<vmem>> -> memref<1x125xi32, #tpu.memory_space<vmem>>
        %dma_start3A_29 = tpu.memref_squeeze %dma_start3A_28 : memref<1x125xi32, #tpu.memory_space<vmem>> -> memref<125xi32, #tpu.memory_space<vmem>>
        %dma_start3A_30 = arith.constant 0 : i32
        %dma_start3A_31 = arith.constant 0 : i32
        %dma_start3A_32 = tpu.memref_slice %arg10[%dma_start3A_30, %dma_start3A_31] : memref<10240x128xf32, #tpu.memory_space<vmem_shared>> -> memref<10240x128xf32, #tpu.memory_space<vmem_shared>>
        tpu.enqueue_indirect_dma source(%arg9 : memref<125x128xf32, #tpu.memory_space<vmem>>) target(%dma_start3A_32 : memref<10240x128xf32, #tpu.memory_space<vmem_shared>>) offsets(%dma_start3A_29 : memref<125xi32, #tpu.memory_space<vmem>>) semaphore(%run_scoped3A : memref<!tpu.dma_semaphore, #tpu.memory_space<semaphore_mem>>) {add = true}
        %dma_wait3A_33 = arith.constant 0 : i32
        %dma_wait3A_34 = tpu.memref_slice %arg8[%scan3A_16, %dma_wait3A_33] : memref<80x125xi32, #tpu.memory_space<vmem>> -> memref<1x125xi32, #tpu.memory_space<vmem>>
        %dma_wait3A_35 = tpu.memref_squeeze %dma_wait3A_34 : memref<1x125xi32, #tpu.memory_space<vmem>> -> memref<125xi32, #tpu.memory_space<vmem>>
        %dma_wait3A_36 = arith.constant 0 : i32
        %dma_wait3A_37 = arith.constant 0 : i32
        %dma_wait3A_38 = tpu.memref_slice %arg10[%dma_wait3A_36, %dma_wait3A_37] : memref<10240x128xf32, #tpu.memory_space<vmem_shared>> -> memref<10240x128xf32, #tpu.memory_space<vmem_shared>>
        tpu.wait_indirect_dma semaphore(%run_scoped3A : memref<!tpu.dma_semaphore, #tpu.memory_space<semaphore_mem>>) src(%arg9 : memref<125x128xf32, #tpu.memory_space<vmem>>) dst(%dma_wait3A_38 : memref<10240x128xf32, #tpu.memory_space<vmem_shared>>)
        tpu.yield
      }) : () -> ()
    }
    %scan3A_7 = arith.constant 80 : i32
    %barrier3A_8 = arith.constant 0 : index
    tpu.barrier barrier_id(%barrier3A_8)
    %mul3A_9 = arith.constant 640 : i32
    %mul3A_10 = arith.muli %arg1, %mul3A_9 : i32
    %mul3A_11 = arith.constant 10240 : i32
    %mul3A_12 = arith.muli %arg0, %mul3A_11 : i32
    %mul3A_13 = arith.constant 640 : i32
    %mul3A_14 = arith.muli %arg1, %mul3A_13 : i32
    %add3A_15 = arith.addi %mul3A_12, %mul3A_14 : i32
    "tpu.region"() ({
      %run_scoped3A = tpu.sem_alloc : memref<!tpu.dma_semaphore, #tpu.memory_space<semaphore_mem>>
      %dma_start3A = arith.constant 0 : i32
      %dma_start3A_16 = tpu.memref_slice %arg6[%add3A_15, %dma_start3A] : memref<20480x128xf32, #tpu.memory_space<hbm>> -> memref<640x128xf32, #tpu.memory_space<hbm>>
      %dma_start3A_17 = arith.constant 0 : i32
      %dma_start3A_18 = tpu.memref_slice %arg10[%mul3A_10, %dma_start3A_17] : memref<10240x128xf32, #tpu.memory_space<vmem_shared>> -> memref<640x128xf32, #tpu.memory_space<vmem_shared>>
      tpu.enqueue_dma source(%dma_start3A_18 : memref<640x128xf32, #tpu.memory_space<vmem_shared>>) target(%dma_start3A_16 : memref<640x128xf32, #tpu.memory_space<hbm>>) target_semaphore(%run_scoped3A : memref<!tpu.dma_semaphore, #tpu.memory_space<semaphore_mem>>)
      %dma_wait3A = arith.constant 0 : i32
      %dma_wait3A_19 = tpu.memref_slice %arg6[%add3A_15, %dma_wait3A] : memref<20480x128xf32, #tpu.memory_space<hbm>> -> memref<640x128xf32, #tpu.memory_space<hbm>>
      %dma_wait3A_20 = arith.constant 0 : i32
      %dma_wait3A_21 = tpu.memref_slice %arg10[%mul3A_10, %dma_wait3A_20] : memref<10240x128xf32, #tpu.memory_space<vmem_shared>> -> memref<640x128xf32, #tpu.memory_space<vmem_shared>>
      tpu.wait_dma2 semaphore(%run_scoped3A : memref<!tpu.dma_semaphore, #tpu.memory_space<semaphore_mem>>) src(%dma_wait3A_21 : memref<640x128xf32, #tpu.memory_space<vmem_shared>>) dst(%dma_wait3A_19 : memref<640x128xf32, #tpu.memory_space<hbm>>)
      tpu.yield
    }) : () -> ()
    return
  }
}

#map = affine_map<(d0, d1) -> (0, 0, 0)>
#map1 = affine_map<(d0, d1) -> (0, 0)>
module attributes {stable_mosaic.version = 14 : i64} {
  func.func @msg(%arg0: i32, %arg1: i32, %arg2: memref<32x80x125xi32, #tpu.memory_space<hbm>>, %arg3: memref<32x80x125xi32, #tpu.memory_space<hbm>>, %arg4: memref<10000x128xf32, #tpu.memory_space<hbm>>, %arg5: memref<640x128xf32, #tpu.memory_space<hbm>>, %arg6: memref<20480x128xf32, #tpu.memory_space<hbm>>, %arg7: memref<80x125xi32, #tpu.memory_space<vmem>>, %arg8: memref<80x125xi32, #tpu.memory_space<vmem>>, %arg9: memref<125x128xf32, #tpu.memory_space<vmem>>, %arg10: memref<10240x128xf32, #tpu.memory_space<vmem_shared>>, %arg11: memref<!tpu.dma_semaphore, #tpu.memory_space<semaphore_mem>>) attributes {dimension_semantics = [#tpu.dimension_semantics<core_parallel>, #tpu.dimension_semantics<subcore_parallel>], iteration_bounds = array<i64: 2, 16>, scalar_prefetch = 0 : i64, scratch_operands = 5 : i64, tpu.core_type = #tpu.core_type<sc_vector_subcore>, window_params = [{transform_indices = #map}, {transform_indices = #map}, {transform_indices = #map1}, {transform_indices = #map1}, {transform_indices = #map1}]} {
    %mul3A = arith.constant 16 : i32
    %mul3A_0 = arith.muli %arg0, %mul3A : i32
    %add3A = arith.addi %mul3A_0, %arg1 : i32
    "tpu.region"() ({
      %run_scoped3A = tpu.sem_alloc : memref<!tpu.dma_semaphore, #tpu.memory_space<semaphore_mem>>
      %dma_start3A = arith.constant 0 : i32
      %dma_start3A_16 = arith.constant 0 : i32
      %dma_start3A_17 = tpu.memref_slice %arg2[%add3A, %dma_start3A, %dma_start3A_16] : memref<32x80x125xi32, #tpu.memory_space<hbm>> -> memref<1x80x125xi32, #tpu.memory_space<hbm>>
      %dma_start3A_18 = tpu.memref_squeeze %dma_start3A_17 : memref<1x80x125xi32, #tpu.memory_space<hbm>> -> memref<80x125xi32, #tpu.memory_space<hbm>>
      %dma_start3A_19 = arith.constant 0 : i32
      %dma_start3A_20 = arith.constant 0 : i32
      %dma_start3A_21 = tpu.memref_slice %arg2[%add3A, %dma_start3A_19, %dma_start3A_20] : memref<32x80x125xi32, #tpu.memory_space<hbm>> -> memref<1x80x125xi32, #tpu.memory_space<hbm>>
      %dma_start3A_22 = tpu.memref_squeeze %dma_start3A_21 : memref<1x80x125xi32, #tpu.memory_space<hbm>> -> memref<80x125xi32, #tpu.memory_space<hbm>>
      tpu.enqueue_dma source(%dma_start3A_22 : memref<80x125xi32, #tpu.memory_space<hbm>>) target(%arg7 : memref<80x125xi32, #tpu.memory_space<vmem>>) target_semaphore(%run_scoped3A : memref<!tpu.dma_semaphore, #tpu.memory_space<semaphore_mem>>)
      %dma_wait3A = arith.constant 0 : i32
      %dma_wait3A_23 = arith.constant 0 : i32
      %dma_wait3A_24 = tpu.memref_slice %arg2[%add3A, %dma_wait3A, %dma_wait3A_23] : memref<32x80x125xi32, #tpu.memory_space<hbm>> -> memref<1x80x125xi32, #tpu.memory_space<hbm>>
      %dma_wait3A_25 = tpu.memref_squeeze %dma_wait3A_24 : memref<1x80x125xi32, #tpu.memory_space<hbm>> -> memref<80x125xi32, #tpu.memory_space<hbm>>
      %dma_wait3A_26 = arith.constant 0 : i32
      %dma_wait3A_27 = arith.constant 0 : i32
      %dma_wait3A_28 = tpu.memref_slice %arg2[%add3A, %dma_wait3A_26, %dma_wait3A_27] : memref<32x80x125xi32, #tpu.memory_space<hbm>> -> memref<1x80x125xi32, #tpu.memory_space<hbm>>
      %dma_wait3A_29 = tpu.memref_squeeze %dma_wait3A_28 : memref<1x80x125xi32, #tpu.memory_space<hbm>> -> memref<80x125xi32, #tpu.memory_space<hbm>>
      tpu.wait_dma2 semaphore(%run_scoped3A : memref<!tpu.dma_semaphore, #tpu.memory_space<semaphore_mem>>) src(%dma_wait3A_29 : memref<80x125xi32, #tpu.memory_space<hbm>>) dst(%arg7 : memref<80x125xi32, #tpu.memory_space<vmem>>)
      tpu.yield
    }) : () -> ()
    "tpu.region"() ({
      %run_scoped3A = tpu.sem_alloc : memref<!tpu.dma_semaphore, #tpu.memory_space<semaphore_mem>>
      %dma_start3A = arith.constant 0 : i32
      %dma_start3A_16 = arith.constant 0 : i32
      %dma_start3A_17 = tpu.memref_slice %arg3[%add3A, %dma_start3A, %dma_start3A_16] : memref<32x80x125xi32, #tpu.memory_space<hbm>> -> memref<1x80x125xi32, #tpu.memory_space<hbm>>
      %dma_start3A_18 = tpu.memref_squeeze %dma_start3A_17 : memref<1x80x125xi32, #tpu.memory_space<hbm>> -> memref<80x125xi32, #tpu.memory_space<hbm>>
      %dma_start3A_19 = arith.constant 0 : i32
      %dma_start3A_20 = arith.constant 0 : i32
      %dma_start3A_21 = tpu.memref_slice %arg3[%add3A, %dma_start3A_19, %dma_start3A_20] : memref<32x80x125xi32, #tpu.memory_space<hbm>> -> memref<1x80x125xi32, #tpu.memory_space<hbm>>
      %dma_start3A_22 = tpu.memref_squeeze %dma_start3A_21 : memref<1x80x125xi32, #tpu.memory_space<hbm>> -> memref<80x125xi32, #tpu.memory_space<hbm>>
      tpu.enqueue_dma source(%dma_start3A_22 : memref<80x125xi32, #tpu.memory_space<hbm>>) target(%arg8 : memref<80x125xi32, #tpu.memory_space<vmem>>) target_semaphore(%run_scoped3A : memref<!tpu.dma_semaphore, #tpu.memory_space<semaphore_mem>>)
      %dma_wait3A = arith.constant 0 : i32
      %dma_wait3A_23 = arith.constant 0 : i32
      %dma_wait3A_24 = tpu.memref_slice %arg3[%add3A, %dma_wait3A, %dma_wait3A_23] : memref<32x80x125xi32, #tpu.memory_space<hbm>> -> memref<1x80x125xi32, #tpu.memory_space<hbm>>
      %dma_wait3A_25 = tpu.memref_squeeze %dma_wait3A_24 : memref<1x80x125xi32, #tpu.memory_space<hbm>> -> memref<80x125xi32, #tpu.memory_space<hbm>>
      %dma_wait3A_26 = arith.constant 0 : i32
      %dma_wait3A_27 = arith.constant 0 : i32
      %dma_wait3A_28 = tpu.memref_slice %arg3[%add3A, %dma_wait3A_26, %dma_wait3A_27] : memref<32x80x125xi32, #tpu.memory_space<hbm>> -> memref<1x80x125xi32, #tpu.memory_space<hbm>>
      %dma_wait3A_29 = tpu.memref_squeeze %dma_wait3A_28 : memref<1x80x125xi32, #tpu.memory_space<hbm>> -> memref<80x125xi32, #tpu.memory_space<hbm>>
      tpu.wait_dma2 semaphore(%run_scoped3A : memref<!tpu.dma_semaphore, #tpu.memory_space<semaphore_mem>>) src(%dma_wait3A_29 : memref<80x125xi32, #tpu.memory_space<hbm>>) dst(%arg8 : memref<80x125xi32, #tpu.memory_space<vmem>>)
      tpu.yield
    }) : () -> ()
    %mul3A_1 = arith.constant 640 : i32
    %mul3A_2 = arith.muli %arg1, %mul3A_1 : i32
    "tpu.region"() ({
      %run_scoped3A = tpu.sem_alloc : memref<!tpu.dma_semaphore, #tpu.memory_space<semaphore_mem>>
      %dma_start3A = arith.constant 0 : i32
      %dma_start3A_16 = tpu.memref_slice %arg10[%mul3A_2, %dma_start3A] : memref<10240x128xf32, #tpu.memory_space<vmem_shared>> -> memref<640x128xf32, #tpu.memory_space<vmem_shared>>
      tpu.enqueue_dma source(%arg5 : memref<640x128xf32, #tpu.memory_space<hbm>>) target(%dma_start3A_16 : memref<640x128xf32, #tpu.memory_space<vmem_shared>>) target_semaphore(%run_scoped3A : memref<!tpu.dma_semaphore, #tpu.memory_space<semaphore_mem>>)
      %dma_wait3A = arith.constant 0 : i32
      %dma_wait3A_17 = tpu.memref_slice %arg10[%mul3A_2, %dma_wait3A] : memref<10240x128xf32, #tpu.memory_space<vmem_shared>> -> memref<640x128xf32, #tpu.memory_space<vmem_shared>>
      tpu.wait_dma2 semaphore(%run_scoped3A : memref<!tpu.dma_semaphore, #tpu.memory_space<semaphore_mem>>) src(%arg5 : memref<640x128xf32, #tpu.memory_space<hbm>>) dst(%dma_wait3A_17 : memref<640x128xf32, #tpu.memory_space<vmem_shared>>)
      tpu.yield
    }) : () -> ()
    %barrier3A = arith.constant 0 : index
    tpu.barrier barrier_id(%barrier3A)
    %scan3A = arith.constant 0 : i32
    %scan3A_3 = arith.constant 0 : i32
    %scan3A_4 = arith.constant 80 : i32
    %scan3A_5 = arith.addi %scan3A_3, %scan3A_4 : i32
    %scan3A_6 = arith.constant 1 : i32
    scf.for %scan3A_16 = %scan3A_3 to %scan3A_5 step %scan3A_6  : i32 {
      %dma_start3A = arith.constant 0 : i32
      %dma_start3A_17 = tpu.memref_slice %arg7[%scan3A_16, %dma_start3A] : memref<80x125xi32, #tpu.memory_space<vmem>> -> memref<1x125xi32, #tpu.memory_space<vmem>>
      %dma_start3A_18 = tpu.memref_squeeze %dma_start3A_17 : memref<1x125xi32, #tpu.memory_space<vmem>> -> memref<125xi32, #tpu.memory_space<vmem>>
      %dma_start3A_19 = arith.constant 0 : i32
      %dma_start3A_20 = arith.constant 0 : i32
      %dma_start3A_21 = tpu.memref_slice %arg4[%dma_start3A_19, %dma_start3A_20] : memref<10000x128xf32, #tpu.memory_space<hbm>> -> memref<10000x128xf32, #tpu.memory_space<hbm>>
      tpu.enqueue_indirect_dma source(%dma_start3A_21 : memref<10000x128xf32, #tpu.memory_space<hbm>>) target(%arg9 : memref<125x128xf32, #tpu.memory_space<vmem>>) offsets(%dma_start3A_18 : memref<125xi32, #tpu.memory_space<vmem>>) semaphore(%arg11 : memref<!tpu.dma_semaphore, #tpu.memory_space<semaphore_mem>>)
      %dma_wait3A = arith.constant 0 : i32
      %dma_wait3A_22 = tpu.memref_slice %arg7[%scan3A_16, %dma_wait3A] : memref<80x125xi32, #tpu.memory_space<vmem>> -> memref<1x125xi32, #tpu.memory_space<vmem>>
      %dma_wait3A_23 = tpu.memref_squeeze %dma_wait3A_22 : memref<1x125xi32, #tpu.memory_space<vmem>> -> memref<125xi32, #tpu.memory_space<vmem>>
      %dma_wait3A_24 = arith.constant 0 : i32
      %dma_wait3A_25 = arith.constant 0 : i32
      %dma_wait3A_26 = tpu.memref_slice %arg4[%dma_wait3A_24, %dma_wait3A_25] : memref<10000x128xf32, #tpu.memory_space<hbm>> -> memref<10000x128xf32, #tpu.memory_space<hbm>>
      tpu.wait_indirect_dma semaphore(%arg11 : memref<!tpu.dma_semaphore, #tpu.memory_space<semaphore_mem>>) src(%dma_wait3A_26 : memref<10000x128xf32, #tpu.memory_space<hbm>>) dst(%arg9 : memref<125x128xf32, #tpu.memory_space<vmem>>)
      "tpu.region"() ({
        %run_scoped3A = tpu.sem_alloc : memref<!tpu.dma_semaphore, #tpu.memory_space<semaphore_mem>>
        %dma_start3A_27 = arith.constant 0 : i32
        %dma_start3A_28 = tpu.memref_slice %arg8[%scan3A_16, %dma_start3A_27] : memref<80x125xi32, #tpu.memory_space<vmem>> -> memref<1x125xi32, #tpu.memory_space<vmem>>
        %dma_start3A_29 = tpu.memref_squeeze %dma_start3A_28 : memref<1x125xi32, #tpu.memory_space<vmem>> -> memref<125xi32, #tpu.memory_space<vmem>>
        %dma_start3A_30 = arith.constant 0 : i32
        %dma_start3A_31 = arith.constant 0 : i32
        %dma_start3A_32 = tpu.memref_slice %arg10[%dma_start3A_30, %dma_start3A_31] : memref<10240x128xf32, #tpu.memory_space<vmem_shared>> -> memref<10240x128xf32, #tpu.memory_space<vmem_shared>>
        tpu.enqueue_indirect_dma source(%arg9 : memref<125x128xf32, #tpu.memory_space<vmem>>) target(%dma_start3A_32 : memref<10240x128xf32, #tpu.memory_space<vmem_shared>>) offsets(%dma_start3A_29 : memref<125xi32, #tpu.memory_space<vmem>>) semaphore(%run_scoped3A : memref<!tpu.dma_semaphore, #tpu.memory_space<semaphore_mem>>) {add = true}
        %dma_wait3A_33 = arith.constant 0 : i32
        %dma_wait3A_34 = tpu.memref_slice %arg8[%scan3A_16, %dma_wait3A_33] : memref<80x125xi32, #tpu.memory_space<vmem>> -> memref<1x125xi32, #tpu.memory_space<vmem>>
        %dma_wait3A_35 = tpu.memref_squeeze %dma_wait3A_34 : memref<1x125xi32, #tpu.memory_space<vmem>> -> memref<125xi32, #tpu.memory_space<vmem>>
        %dma_wait3A_36 = arith.constant 0 : i32
        %dma_wait3A_37 = arith.constant 0 : i32
        %dma_wait3A_38 = tpu.memref_slice %arg10[%dma_wait3A_36, %dma_wait3A_37] : memref<10240x128xf32, #tpu.memory_space<vmem_shared>> -> memref<10240x128xf32, #tpu.memory_space<vmem_shared>>
        tpu.wait_indirect_dma semaphore(%run_scoped3A : memref<!tpu.dma_semaphore, #tpu.memory_space<semaphore_mem>>) src(%arg9 : memref<125x128xf32, #tpu.memory_space<vmem>>) dst(%dma_wait3A_38 : memref<10240x128xf32, #tpu.memory_space<vmem_shared>>)
        tpu.yield
      }) : () -> ()
    }
    %scan3A_7 = arith.constant 80 : i32
    %barrier3A_8 = arith.constant 0 : index
    tpu.barrier barrier_id(%barrier3A_8)
    %mul3A_9 = arith.constant 640 : i32
    %mul3A_10 = arith.muli %arg1, %mul3A_9 : i32
    %mul3A_11 = arith.constant 10240 : i32
    %mul3A_12 = arith.muli %arg0, %mul3A_11 : i32
    %mul3A_13 = arith.constant 640 : i32
    %mul3A_14 = arith.muli %arg1, %mul3A_13 : i32
    %add3A_15 = arith.addi %mul3A_12, %mul3A_14 : i32
    "tpu.region"() ({
      %run_scoped3A = tpu.sem_alloc : memref<!tpu.dma_semaphore, #tpu.memory_space<semaphore_mem>>
      %dma_start3A = arith.constant 0 : i32
      %dma_start3A_16 = tpu.memref_slice %arg6[%add3A_15, %dma_start3A] : memref<20480x128xf32, #tpu.memory_space<hbm>> -> memref<640x128xf32, #tpu.memory_space<hbm>>
      %dma_start3A_17 = arith.constant 0 : i32
      %dma_start3A_18 = tpu.memref_slice %arg10[%mul3A_10, %dma_start3A_17] : memref<10240x128xf32, #tpu.memory_space<vmem_shared>> -> memref<640x128xf32, #tpu.memory_space<vmem_shared>>
      tpu.enqueue_dma source(%dma_start3A_18 : memref<640x128xf32, #tpu.memory_space<vmem_shared>>) target(%dma_start3A_16 : memref<640x128xf32, #tpu.memory_space<hbm>>) target_semaphore(%run_scoped3A : memref<!tpu.dma_semaphore, #tpu.memory_space<semaphore_mem>>)
      %dma_wait3A = arith.constant 0 : i32
      %dma_wait3A_19 = tpu.memref_slice %arg6[%add3A_15, %dma_wait3A] : memref<20480x128xf32, #tpu.memory_space<hbm>> -> memref<640x128xf32, #tpu.memory_space<hbm>>
      %dma_wait3A_20 = arith.constant 0 : i32
      %dma_wait3A_21 = tpu.memref_slice %arg10[%mul3A_10, %dma_wait3A_20] : memref<10240x128xf32, #tpu.memory_space<vmem_shared>> -> memref<640x128xf32, #tpu.memory_space<vmem_shared>>
      tpu.wait_dma2 semaphore(%run_scoped3A : memref<!tpu.dma_semaphore, #tpu.memory_space<semaphore_mem>>) src(%dma_wait3A_21 : memref<640x128xf32, #tpu.memory_space<vmem_shared>>) dst(%dma_wait3A_19 : memref<640x128xf32, #tpu.memory_space<hbm>>)
      tpu.yield
    }) : () -> ()
    return
  }
}

#map = affine_map<(d0, d1) -> (0, 0, 0)>
#map1 = affine_map<(d0, d1) -> (0, 0)>
module attributes {stable_mosaic.version = 14 : i64} {
  func.func @_sc_degree(%arg0: i32, %arg1: i32, %arg2: memref<32x80x125xi32, #tpu.memory_space<hbm>>, %arg3: memref<125x16xf32, #tpu.memory_space<hbm>>, %arg4: memref<640x16xf32, #tpu.memory_space<hbm>>, %arg5: memref<20480x16xf32, #tpu.memory_space<hbm>>, %arg6: memref<80x125xi32, #tpu.memory_space<vmem>>, %arg7: memref<125x16xf32, #tpu.memory_space<vmem>>, %arg8: memref<10240x16xf32, #tpu.memory_space<vmem_shared>>) attributes {dimension_semantics = [#tpu.dimension_semantics<core_parallel>, #tpu.dimension_semantics<subcore_parallel>], iteration_bounds = array<i64: 2, 16>, scalar_prefetch = 0 : i64, scratch_operands = 3 : i64, tpu.core_type = #tpu.core_type<sc_vector_subcore>, window_params = [{transform_indices = #map}, {transform_indices = #map1}, {transform_indices = #map1}, {transform_indices = #map1}]} {
    %mul3A = arith.constant 16 : i32
    %mul3A_0 = arith.muli %arg0, %mul3A : i32
    %add3A = arith.addi %mul3A_0, %arg1 : i32
    "tpu.region"() ({
      %run_scoped3A = tpu.sem_alloc : memref<!tpu.dma_semaphore, #tpu.memory_space<semaphore_mem>>
      %dma_start3A = arith.constant 0 : i32
      %dma_start3A_16 = arith.constant 0 : i32
      %dma_start3A_17 = tpu.memref_slice %arg2[%add3A, %dma_start3A, %dma_start3A_16] : memref<32x80x125xi32, #tpu.memory_space<hbm>> -> memref<1x80x125xi32, #tpu.memory_space<hbm>>
      %dma_start3A_18 = tpu.memref_squeeze %dma_start3A_17 : memref<1x80x125xi32, #tpu.memory_space<hbm>> -> memref<80x125xi32, #tpu.memory_space<hbm>>
      %dma_start3A_19 = arith.constant 0 : i32
      %dma_start3A_20 = arith.constant 0 : i32
      %dma_start3A_21 = tpu.memref_slice %arg2[%add3A, %dma_start3A_19, %dma_start3A_20] : memref<32x80x125xi32, #tpu.memory_space<hbm>> -> memref<1x80x125xi32, #tpu.memory_space<hbm>>
      %dma_start3A_22 = tpu.memref_squeeze %dma_start3A_21 : memref<1x80x125xi32, #tpu.memory_space<hbm>> -> memref<80x125xi32, #tpu.memory_space<hbm>>
      tpu.enqueue_dma source(%dma_start3A_22 : memref<80x125xi32, #tpu.memory_space<hbm>>) target(%arg6 : memref<80x125xi32, #tpu.memory_space<vmem>>) target_semaphore(%run_scoped3A : memref<!tpu.dma_semaphore, #tpu.memory_space<semaphore_mem>>)
      %dma_wait3A = arith.constant 0 : i32
      %dma_wait3A_23 = arith.constant 0 : i32
      %dma_wait3A_24 = tpu.memref_slice %arg2[%add3A, %dma_wait3A, %dma_wait3A_23] : memref<32x80x125xi32, #tpu.memory_space<hbm>> -> memref<1x80x125xi32, #tpu.memory_space<hbm>>
      %dma_wait3A_25 = tpu.memref_squeeze %dma_wait3A_24 : memref<1x80x125xi32, #tpu.memory_space<hbm>> -> memref<80x125xi32, #tpu.memory_space<hbm>>
      %dma_wait3A_26 = arith.constant 0 : i32
      %dma_wait3A_27 = arith.constant 0 : i32
      %dma_wait3A_28 = tpu.memref_slice %arg2[%add3A, %dma_wait3A_26, %dma_wait3A_27] : memref<32x80x125xi32, #tpu.memory_space<hbm>> -> memref<1x80x125xi32, #tpu.memory_space<hbm>>
      %dma_wait3A_29 = tpu.memref_squeeze %dma_wait3A_28 : memref<1x80x125xi32, #tpu.memory_space<hbm>> -> memref<80x125xi32, #tpu.memory_space<hbm>>
      tpu.wait_dma2 semaphore(%run_scoped3A : memref<!tpu.dma_semaphore, #tpu.memory_space<semaphore_mem>>) src(%dma_wait3A_29 : memref<80x125xi32, #tpu.memory_space<hbm>>) dst(%arg6 : memref<80x125xi32, #tpu.memory_space<vmem>>)
      tpu.yield
    }) : () -> ()
    "tpu.region"() ({
      %run_scoped3A = tpu.sem_alloc : memref<!tpu.dma_semaphore, #tpu.memory_space<semaphore_mem>>
      tpu.enqueue_dma source(%arg3 : memref<125x16xf32, #tpu.memory_space<hbm>>) target(%arg7 : memref<125x16xf32, #tpu.memory_space<vmem>>) target_semaphore(%run_scoped3A : memref<!tpu.dma_semaphore, #tpu.memory_space<semaphore_mem>>)
      tpu.wait_dma2 semaphore(%run_scoped3A : memref<!tpu.dma_semaphore, #tpu.memory_space<semaphore_mem>>) src(%arg3 : memref<125x16xf32, #tpu.memory_space<hbm>>) dst(%arg7 : memref<125x16xf32, #tpu.memory_space<vmem>>)
      tpu.yield
    }) : () -> ()
    %mul3A_1 = arith.constant 640 : i32
    %mul3A_2 = arith.muli %arg1, %mul3A_1 : i32
    "tpu.region"() ({
      %run_scoped3A = tpu.sem_alloc : memref<!tpu.dma_semaphore, #tpu.memory_space<semaphore_mem>>
      %dma_start3A = arith.constant 0 : i32
      %dma_start3A_16 = tpu.memref_slice %arg8[%mul3A_2, %dma_start3A] : memref<10240x16xf32, #tpu.memory_space<vmem_shared>> -> memref<640x16xf32, #tpu.memory_space<vmem_shared>>
      tpu.enqueue_dma source(%arg4 : memref<640x16xf32, #tpu.memory_space<hbm>>) target(%dma_start3A_16 : memref<640x16xf32, #tpu.memory_space<vmem_shared>>) target_semaphore(%run_scoped3A : memref<!tpu.dma_semaphore, #tpu.memory_space<semaphore_mem>>)
      %dma_wait3A = arith.constant 0 : i32
      %dma_wait3A_17 = tpu.memref_slice %arg8[%mul3A_2, %dma_wait3A] : memref<10240x16xf32, #tpu.memory_space<vmem_shared>> -> memref<640x16xf32, #tpu.memory_space<vmem_shared>>
      tpu.wait_dma2 semaphore(%run_scoped3A : memref<!tpu.dma_semaphore, #tpu.memory_space<semaphore_mem>>) src(%arg4 : memref<640x16xf32, #tpu.memory_space<hbm>>) dst(%dma_wait3A_17 : memref<640x16xf32, #tpu.memory_space<vmem_shared>>)
      tpu.yield
    }) : () -> ()
    %barrier3A = arith.constant 0 : index
    tpu.barrier barrier_id(%barrier3A)
    %scan3A = arith.constant 0 : i32
    %scan3A_3 = arith.constant 0 : i32
    %scan3A_4 = arith.constant 80 : i32
    %scan3A_5 = arith.addi %scan3A_3, %scan3A_4 : i32
    %scan3A_6 = arith.constant 1 : i32
    scf.for %scan3A_16 = %scan3A_3 to %scan3A_5 step %scan3A_6  : i32 {
      "tpu.region"() ({
        %run_scoped3A = tpu.sem_alloc : memref<!tpu.dma_semaphore, #tpu.memory_space<semaphore_mem>>
        %dma_start3A = arith.constant 0 : i32
        %dma_start3A_17 = tpu.memref_slice %arg6[%scan3A_16, %dma_start3A] : memref<80x125xi32, #tpu.memory_space<vmem>> -> memref<1x125xi32, #tpu.memory_space<vmem>>
        %dma_start3A_18 = tpu.memref_squeeze %dma_start3A_17 : memref<1x125xi32, #tpu.memory_space<vmem>> -> memref<125xi32, #tpu.memory_space<vmem>>
        %dma_start3A_19 = arith.constant 0 : i32
        %dma_start3A_20 = arith.constant 0 : i32
        %dma_start3A_21 = tpu.memref_slice %arg8[%dma_start3A_19, %dma_start3A_20] : memref<10240x16xf32, #tpu.memory_space<vmem_shared>> -> memref<10240x16xf32, #tpu.memory_space<vmem_shared>>
        tpu.enqueue_indirect_dma source(%arg7 : memref<125x16xf32, #tpu.memory_space<vmem>>) target(%dma_start3A_21 : memref<10240x16xf32, #tpu.memory_space<vmem_shared>>) offsets(%dma_start3A_18 : memref<125xi32, #tpu.memory_space<vmem>>) semaphore(%run_scoped3A : memref<!tpu.dma_semaphore, #tpu.memory_space<semaphore_mem>>) {add = true}
        %dma_wait3A = arith.constant 0 : i32
        %dma_wait3A_22 = tpu.memref_slice %arg6[%scan3A_16, %dma_wait3A] : memref<80x125xi32, #tpu.memory_space<vmem>> -> memref<1x125xi32, #tpu.memory_space<vmem>>
        %dma_wait3A_23 = tpu.memref_squeeze %dma_wait3A_22 : memref<1x125xi32, #tpu.memory_space<vmem>> -> memref<125xi32, #tpu.memory_space<vmem>>
        %dma_wait3A_24 = arith.constant 0 : i32
        %dma_wait3A_25 = arith.constant 0 : i32
        %dma_wait3A_26 = tpu.memref_slice %arg8[%dma_wait3A_24, %dma_wait3A_25] : memref<10240x16xf32, #tpu.memory_space<vmem_shared>> -> memref<10240x16xf32, #tpu.memory_space<vmem_shared>>
        tpu.wait_indirect_dma semaphore(%run_scoped3A : memref<!tpu.dma_semaphore, #tpu.memory_space<semaphore_mem>>) src(%arg7 : memref<125x16xf32, #tpu.memory_space<vmem>>) dst(%dma_wait3A_26 : memref<10240x16xf32, #tpu.memory_space<vmem_shared>>)
        tpu.yield
      }) : () -> ()
    }
    %scan3A_7 = arith.constant 80 : i32
    %barrier3A_8 = arith.constant 0 : index
    tpu.barrier barrier_id(%barrier3A_8)
    %mul3A_9 = arith.constant 640 : i32
    %mul3A_10 = arith.muli %arg1, %mul3A_9 : i32
    %mul3A_11 = arith.constant 10240 : i32
    %mul3A_12 = arith.muli %arg0, %mul3A_11 : i32
    %mul3A_13 = arith.constant 640 : i32
    %mul3A_14 = arith.muli %arg1, %mul3A_13 : i32
    %add3A_15 = arith.addi %mul3A_12, %mul3A_14 : i32
    "tpu.region"() ({
      %run_scoped3A = tpu.sem_alloc : memref<!tpu.dma_semaphore, #tpu.memory_space<semaphore_mem>>
      %dma_start3A = arith.constant 0 : i32
      %dma_start3A_16 = tpu.memref_slice %arg5[%add3A_15, %dma_start3A] : memref<20480x16xf32, #tpu.memory_space<hbm>> -> memref<640x16xf32, #tpu.memory_space<hbm>>
      %dma_start3A_17 = arith.constant 0 : i32
      %dma_start3A_18 = tpu.memref_slice %arg8[%mul3A_10, %dma_start3A_17] : memref<10240x16xf32, #tpu.memory_space<vmem_shared>> -> memref<640x16xf32, #tpu.memory_space<vmem_shared>>
      tpu.enqueue_dma source(%dma_start3A_18 : memref<640x16xf32, #tpu.memory_space<vmem_shared>>) target(%dma_start3A_16 : memref<640x16xf32, #tpu.memory_space<hbm>>) target_semaphore(%run_scoped3A : memref<!tpu.dma_semaphore, #tpu.memory_space<semaphore_mem>>)
      %dma_wait3A = arith.constant 0 : i32
      %dma_wait3A_19 = tpu.memref_slice %arg5[%add3A_15, %dma_wait3A] : memref<20480x16xf32, #tpu.memory_space<hbm>> -> memref<640x16xf32, #tpu.memory_space<hbm>>
      %dma_wait3A_20 = arith.constant 0 : i32
      %dma_wait3A_21 = tpu.memref_slice %arg8[%mul3A_10, %dma_wait3A_20] : memref<10240x16xf32, #tpu.memory_space<vmem_shared>> -> memref<640x16xf32, #tpu.memory_space<vmem_shared>>
      tpu.wait_dma2 semaphore(%run_scoped3A : memref<!tpu.dma_semaphore, #tpu.memory_space<semaphore_mem>>) src(%dma_wait3A_21 : memref<640x16xf32, #tpu.memory_space<vmem_shared>>) dst(%dma_wait3A_19 : memref<640x16xf32, #tpu.memory_space<hbm>>)
      tpu.yield
    }) : () -> ()
    return
  }
}

#map = affine_map<(d0, d1) -> (0, 0, 0)>
#map1 = affine_map<(d0, d1) -> (0, 0)>
module attributes {stable_mosaic.version = 14 : i64} {
  func.func @msg(%arg0: i32, %arg1: i32, %arg2: memref<32x80x125xi32, #tpu.memory_space<hbm>>, %arg3: memref<32x80x125xi32, #tpu.memory_space<hbm>>, %arg4: memref<10000x64xf32, #tpu.memory_space<hbm>>, %arg5: memref<640x64xf32, #tpu.memory_space<hbm>>, %arg6: memref<20480x64xf32, #tpu.memory_space<hbm>>, %arg7: memref<80x125xi32, #tpu.memory_space<vmem>>, %arg8: memref<80x125xi32, #tpu.memory_space<vmem>>, %arg9: memref<125x64xf32, #tpu.memory_space<vmem>>, %arg10: memref<10240x64xf32, #tpu.memory_space<vmem_shared>>, %arg11: memref<!tpu.dma_semaphore, #tpu.memory_space<semaphore_mem>>) attributes {dimension_semantics = [#tpu.dimension_semantics<core_parallel>, #tpu.dimension_semantics<subcore_parallel>], iteration_bounds = array<i64: 2, 16>, scalar_prefetch = 0 : i64, scratch_operands = 5 : i64, tpu.core_type = #tpu.core_type<sc_vector_subcore>, window_params = [{transform_indices = #map}, {transform_indices = #map}, {transform_indices = #map1}, {transform_indices = #map1}, {transform_indices = #map1}]} {
    %mul3A = arith.constant 16 : i32
    %mul3A_0 = arith.muli %arg0, %mul3A : i32
    %add3A = arith.addi %mul3A_0, %arg1 : i32
    "tpu.region"() ({
      %run_scoped3A = tpu.sem_alloc : memref<!tpu.dma_semaphore, #tpu.memory_space<semaphore_mem>>
      %dma_start3A = arith.constant 0 : i32
      %dma_start3A_16 = arith.constant 0 : i32
      %dma_start3A_17 = tpu.memref_slice %arg2[%add3A, %dma_start3A, %dma_start3A_16] : memref<32x80x125xi32, #tpu.memory_space<hbm>> -> memref<1x80x125xi32, #tpu.memory_space<hbm>>
      %dma_start3A_18 = tpu.memref_squeeze %dma_start3A_17 : memref<1x80x125xi32, #tpu.memory_space<hbm>> -> memref<80x125xi32, #tpu.memory_space<hbm>>
      %dma_start3A_19 = arith.constant 0 : i32
      %dma_start3A_20 = arith.constant 0 : i32
      %dma_start3A_21 = tpu.memref_slice %arg2[%add3A, %dma_start3A_19, %dma_start3A_20] : memref<32x80x125xi32, #tpu.memory_space<hbm>> -> memref<1x80x125xi32, #tpu.memory_space<hbm>>
      %dma_start3A_22 = tpu.memref_squeeze %dma_start3A_21 : memref<1x80x125xi32, #tpu.memory_space<hbm>> -> memref<80x125xi32, #tpu.memory_space<hbm>>
      tpu.enqueue_dma source(%dma_start3A_22 : memref<80x125xi32, #tpu.memory_space<hbm>>) target(%arg7 : memref<80x125xi32, #tpu.memory_space<vmem>>) target_semaphore(%run_scoped3A : memref<!tpu.dma_semaphore, #tpu.memory_space<semaphore_mem>>)
      %dma_wait3A = arith.constant 0 : i32
      %dma_wait3A_23 = arith.constant 0 : i32
      %dma_wait3A_24 = tpu.memref_slice %arg2[%add3A, %dma_wait3A, %dma_wait3A_23] : memref<32x80x125xi32, #tpu.memory_space<hbm>> -> memref<1x80x125xi32, #tpu.memory_space<hbm>>
      %dma_wait3A_25 = tpu.memref_squeeze %dma_wait3A_24 : memref<1x80x125xi32, #tpu.memory_space<hbm>> -> memref<80x125xi32, #tpu.memory_space<hbm>>
      %dma_wait3A_26 = arith.constant 0 : i32
      %dma_wait3A_27 = arith.constant 0 : i32
      %dma_wait3A_28 = tpu.memref_slice %arg2[%add3A, %dma_wait3A_26, %dma_wait3A_27] : memref<32x80x125xi32, #tpu.memory_space<hbm>> -> memref<1x80x125xi32, #tpu.memory_space<hbm>>
      %dma_wait3A_29 = tpu.memref_squeeze %dma_wait3A_28 : memref<1x80x125xi32, #tpu.memory_space<hbm>> -> memref<80x125xi32, #tpu.memory_space<hbm>>
      tpu.wait_dma2 semaphore(%run_scoped3A : memref<!tpu.dma_semaphore, #tpu.memory_space<semaphore_mem>>) src(%dma_wait3A_29 : memref<80x125xi32, #tpu.memory_space<hbm>>) dst(%arg7 : memref<80x125xi32, #tpu.memory_space<vmem>>)
      tpu.yield
    }) : () -> ()
    "tpu.region"() ({
      %run_scoped3A = tpu.sem_alloc : memref<!tpu.dma_semaphore, #tpu.memory_space<semaphore_mem>>
      %dma_start3A = arith.constant 0 : i32
      %dma_start3A_16 = arith.constant 0 : i32
      %dma_start3A_17 = tpu.memref_slice %arg3[%add3A, %dma_start3A, %dma_start3A_16] : memref<32x80x125xi32, #tpu.memory_space<hbm>> -> memref<1x80x125xi32, #tpu.memory_space<hbm>>
      %dma_start3A_18 = tpu.memref_squeeze %dma_start3A_17 : memref<1x80x125xi32, #tpu.memory_space<hbm>> -> memref<80x125xi32, #tpu.memory_space<hbm>>
      %dma_start3A_19 = arith.constant 0 : i32
      %dma_start3A_20 = arith.constant 0 : i32
      %dma_start3A_21 = tpu.memref_slice %arg3[%add3A, %dma_start3A_19, %dma_start3A_20] : memref<32x80x125xi32, #tpu.memory_space<hbm>> -> memref<1x80x125xi32, #tpu.memory_space<hbm>>
      %dma_start3A_22 = tpu.memref_squeeze %dma_start3A_21 : memref<1x80x125xi32, #tpu.memory_space<hbm>> -> memref<80x125xi32, #tpu.memory_space<hbm>>
      tpu.enqueue_dma source(%dma_start3A_22 : memref<80x125xi32, #tpu.memory_space<hbm>>) target(%arg8 : memref<80x125xi32, #tpu.memory_space<vmem>>) target_semaphore(%run_scoped3A : memref<!tpu.dma_semaphore, #tpu.memory_space<semaphore_mem>>)
      %dma_wait3A = arith.constant 0 : i32
      %dma_wait3A_23 = arith.constant 0 : i32
      %dma_wait3A_24 = tpu.memref_slice %arg3[%add3A, %dma_wait3A, %dma_wait3A_23] : memref<32x80x125xi32, #tpu.memory_space<hbm>> -> memref<1x80x125xi32, #tpu.memory_space<hbm>>
      %dma_wait3A_25 = tpu.memref_squeeze %dma_wait3A_24 : memref<1x80x125xi32, #tpu.memory_space<hbm>> -> memref<80x125xi32, #tpu.memory_space<hbm>>
      %dma_wait3A_26 = arith.constant 0 : i32
      %dma_wait3A_27 = arith.constant 0 : i32
      %dma_wait3A_28 = tpu.memref_slice %arg3[%add3A, %dma_wait3A_26, %dma_wait3A_27] : memref<32x80x125xi32, #tpu.memory_space<hbm>> -> memref<1x80x125xi32, #tpu.memory_space<hbm>>
      %dma_wait3A_29 = tpu.memref_squeeze %dma_wait3A_28 : memref<1x80x125xi32, #tpu.memory_space<hbm>> -> memref<80x125xi32, #tpu.memory_space<hbm>>
      tpu.wait_dma2 semaphore(%run_scoped3A : memref<!tpu.dma_semaphore, #tpu.memory_space<semaphore_mem>>) src(%dma_wait3A_29 : memref<80x125xi32, #tpu.memory_space<hbm>>) dst(%arg8 : memref<80x125xi32, #tpu.memory_space<vmem>>)
      tpu.yield
    }) : () -> ()
    %mul3A_1 = arith.constant 640 : i32
    %mul3A_2 = arith.muli %arg1, %mul3A_1 : i32
    "tpu.region"() ({
      %run_scoped3A = tpu.sem_alloc : memref<!tpu.dma_semaphore, #tpu.memory_space<semaphore_mem>>
      %dma_start3A = arith.constant 0 : i32
      %dma_start3A_16 = tpu.memref_slice %arg10[%mul3A_2, %dma_start3A] : memref<10240x64xf32, #tpu.memory_space<vmem_shared>> -> memref<640x64xf32, #tpu.memory_space<vmem_shared>>
      tpu.enqueue_dma source(%arg5 : memref<640x64xf32, #tpu.memory_space<hbm>>) target(%dma_start3A_16 : memref<640x64xf32, #tpu.memory_space<vmem_shared>>) target_semaphore(%run_scoped3A : memref<!tpu.dma_semaphore, #tpu.memory_space<semaphore_mem>>)
      %dma_wait3A = arith.constant 0 : i32
      %dma_wait3A_17 = tpu.memref_slice %arg10[%mul3A_2, %dma_wait3A] : memref<10240x64xf32, #tpu.memory_space<vmem_shared>> -> memref<640x64xf32, #tpu.memory_space<vmem_shared>>
      tpu.wait_dma2 semaphore(%run_scoped3A : memref<!tpu.dma_semaphore, #tpu.memory_space<semaphore_mem>>) src(%arg5 : memref<640x64xf32, #tpu.memory_space<hbm>>) dst(%dma_wait3A_17 : memref<640x64xf32, #tpu.memory_space<vmem_shared>>)
      tpu.yield
    }) : () -> ()
    %barrier3A = arith.constant 0 : index
    tpu.barrier barrier_id(%barrier3A)
    %scan3A = arith.constant 0 : i32
    %scan3A_3 = arith.constant 0 : i32
    %scan3A_4 = arith.constant 80 : i32
    %scan3A_5 = arith.addi %scan3A_3, %scan3A_4 : i32
    %scan3A_6 = arith.constant 1 : i32
    scf.for %scan3A_16 = %scan3A_3 to %scan3A_5 step %scan3A_6  : i32 {
      %dma_start3A = arith.constant 0 : i32
      %dma_start3A_17 = tpu.memref_slice %arg7[%scan3A_16, %dma_start3A] : memref<80x125xi32, #tpu.memory_space<vmem>> -> memref<1x125xi32, #tpu.memory_space<vmem>>
      %dma_start3A_18 = tpu.memref_squeeze %dma_start3A_17 : memref<1x125xi32, #tpu.memory_space<vmem>> -> memref<125xi32, #tpu.memory_space<vmem>>
      %dma_start3A_19 = arith.constant 0 : i32
      %dma_start3A_20 = arith.constant 0 : i32
      %dma_start3A_21 = tpu.memref_slice %arg4[%dma_start3A_19, %dma_start3A_20] : memref<10000x64xf32, #tpu.memory_space<hbm>> -> memref<10000x64xf32, #tpu.memory_space<hbm>>
      tpu.enqueue_indirect_dma source(%dma_start3A_21 : memref<10000x64xf32, #tpu.memory_space<hbm>>) target(%arg9 : memref<125x64xf32, #tpu.memory_space<vmem>>) offsets(%dma_start3A_18 : memref<125xi32, #tpu.memory_space<vmem>>) semaphore(%arg11 : memref<!tpu.dma_semaphore, #tpu.memory_space<semaphore_mem>>)
      %dma_wait3A = arith.constant 0 : i32
      %dma_wait3A_22 = tpu.memref_slice %arg7[%scan3A_16, %dma_wait3A] : memref<80x125xi32, #tpu.memory_space<vmem>> -> memref<1x125xi32, #tpu.memory_space<vmem>>
      %dma_wait3A_23 = tpu.memref_squeeze %dma_wait3A_22 : memref<1x125xi32, #tpu.memory_space<vmem>> -> memref<125xi32, #tpu.memory_space<vmem>>
      %dma_wait3A_24 = arith.constant 0 : i32
      %dma_wait3A_25 = arith.constant 0 : i32
      %dma_wait3A_26 = tpu.memref_slice %arg4[%dma_wait3A_24, %dma_wait3A_25] : memref<10000x64xf32, #tpu.memory_space<hbm>> -> memref<10000x64xf32, #tpu.memory_space<hbm>>
      tpu.wait_indirect_dma semaphore(%arg11 : memref<!tpu.dma_semaphore, #tpu.memory_space<semaphore_mem>>) src(%dma_wait3A_26 : memref<10000x64xf32, #tpu.memory_space<hbm>>) dst(%arg9 : memref<125x64xf32, #tpu.memory_space<vmem>>)
      "tpu.region"() ({
        %run_scoped3A = tpu.sem_alloc : memref<!tpu.dma_semaphore, #tpu.memory_space<semaphore_mem>>
        %dma_start3A_27 = arith.constant 0 : i32
        %dma_start3A_28 = tpu.memref_slice %arg8[%scan3A_16, %dma_start3A_27] : memref<80x125xi32, #tpu.memory_space<vmem>> -> memref<1x125xi32, #tpu.memory_space<vmem>>
        %dma_start3A_29 = tpu.memref_squeeze %dma_start3A_28 : memref<1x125xi32, #tpu.memory_space<vmem>> -> memref<125xi32, #tpu.memory_space<vmem>>
        %dma_start3A_30 = arith.constant 0 : i32
        %dma_start3A_31 = arith.constant 0 : i32
        %dma_start3A_32 = tpu.memref_slice %arg10[%dma_start3A_30, %dma_start3A_31] : memref<10240x64xf32, #tpu.memory_space<vmem_shared>> -> memref<10240x64xf32, #tpu.memory_space<vmem_shared>>
        tpu.enqueue_indirect_dma source(%arg9 : memref<125x64xf32, #tpu.memory_space<vmem>>) target(%dma_start3A_32 : memref<10240x64xf32, #tpu.memory_space<vmem_shared>>) offsets(%dma_start3A_29 : memref<125xi32, #tpu.memory_space<vmem>>) semaphore(%run_scoped3A : memref<!tpu.dma_semaphore, #tpu.memory_space<semaphore_mem>>) {add = true}
        %dma_wait3A_33 = arith.constant 0 : i32
        %dma_wait3A_34 = tpu.memref_slice %arg8[%scan3A_16, %dma_wait3A_33] : memref<80x125xi32, #tpu.memory_space<vmem>> -> memref<1x125xi32, #tpu.memory_space<vmem>>
        %dma_wait3A_35 = tpu.memref_squeeze %dma_wait3A_34 : memref<1x125xi32, #tpu.memory_space<vmem>> -> memref<125xi32, #tpu.memory_space<vmem>>
        %dma_wait3A_36 = arith.constant 0 : i32
        %dma_wait3A_37 = arith.constant 0 : i32
        %dma_wait3A_38 = tpu.memref_slice %arg10[%dma_wait3A_36, %dma_wait3A_37] : memref<10240x64xf32, #tpu.memory_space<vmem_shared>> -> memref<10240x64xf32, #tpu.memory_space<vmem_shared>>
        tpu.wait_indirect_dma semaphore(%run_scoped3A : memref<!tpu.dma_semaphore, #tpu.memory_space<semaphore_mem>>) src(%arg9 : memref<125x64xf32, #tpu.memory_space<vmem>>) dst(%dma_wait3A_38 : memref<10240x64xf32, #tpu.memory_space<vmem_shared>>)
        tpu.yield
      }) : () -> ()
    }
    %scan3A_7 = arith.constant 80 : i32
    %barrier3A_8 = arith.constant 0 : index
    tpu.barrier barrier_id(%barrier3A_8)
    %mul3A_9 = arith.constant 640 : i32
    %mul3A_10 = arith.muli %arg1, %mul3A_9 : i32
    %mul3A_11 = arith.constant 10240 : i32
    %mul3A_12 = arith.muli %arg0, %mul3A_11 : i32
    %mul3A_13 = arith.constant 640 : i32
    %mul3A_14 = arith.muli %arg1, %mul3A_13 : i32
    %add3A_15 = arith.addi %mul3A_12, %mul3A_14 : i32
    "tpu.region"() ({
      %run_scoped3A = tpu.sem_alloc : memref<!tpu.dma_semaphore, #tpu.memory_space<semaphore_mem>>
      %dma_start3A = arith.constant 0 : i32
      %dma_start3A_16 = tpu.memref_slice %arg6[%add3A_15, %dma_start3A] : memref<20480x64xf32, #tpu.memory_space<hbm>> -> memref<640x64xf32, #tpu.memory_space<hbm>>
      %dma_start3A_17 = arith.constant 0 : i32
      %dma_start3A_18 = tpu.memref_slice %arg10[%mul3A_10, %dma_start3A_17] : memref<10240x64xf32, #tpu.memory_space<vmem_shared>> -> memref<640x64xf32, #tpu.memory_space<vmem_shared>>
      tpu.enqueue_dma source(%dma_start3A_18 : memref<640x64xf32, #tpu.memory_space<vmem_shared>>) target(%dma_start3A_16 : memref<640x64xf32, #tpu.memory_space<hbm>>) target_semaphore(%run_scoped3A : memref<!tpu.dma_semaphore, #tpu.memory_space<semaphore_mem>>)
      %dma_wait3A = arith.constant 0 : i32
      %dma_wait3A_19 = tpu.memref_slice %arg6[%add3A_15, %dma_wait3A] : memref<20480x64xf32, #tpu.memory_space<hbm>> -> memref<640x64xf32, #tpu.memory_space<hbm>>
      %dma_wait3A_20 = arith.constant 0 : i32
      %dma_wait3A_21 = tpu.memref_slice %arg10[%mul3A_10, %dma_wait3A_20] : memref<10240x64xf32, #tpu.memory_space<vmem_shared>> -> memref<640x64xf32, #tpu.memory_space<vmem_shared>>
      tpu.wait_dma2 semaphore(%run_scoped3A : memref<!tpu.dma_semaphore, #tpu.memory_space<semaphore_mem>>) src(%dma_wait3A_21 : memref<640x64xf32, #tpu.memory_space<vmem_shared>>) dst(%dma_wait3A_19 : memref<640x64xf32, #tpu.memory_space<hbm>>)
      tpu.yield
    }) : () -> ()
    return
  }
}

module attributes {stable_mosaic.version = 14 : i64} {
  func.func @_tc_stage1_body(%arg0: i32, %arg1: memref<400x128xf32, #tpu.memory_space<vmem>>, %arg2: memref<400x10xf32, #tpu.memory_space<vmem>>, %arg3: memref<128x128xf32, #tpu.memory_space<vmem>>, %arg4: memref<10x32xf32, #tpu.memory_space<vmem>>, %arg5: memref<1x32xf32, #tpu.memory_space<vmem>>, %arg6: memref<2x400x16xf32, #tpu.memory_space<vmem>>, %arg7: memref<400x128xf32, #tpu.memory_space<vmem>>, %arg8: memref<400x32xf32, #tpu.memory_space<vmem>>) attributes {dimension_semantics = [#tpu.dimension_semantics<arbitrary>], iteration_bounds = array<i64: 25>, scalar_prefetch = 0 : i64, scratch_operands = 0 : i64, tpu.core_type = #tpu.core_type<tc>, window_params = [{transform_indices = @transform_0, window_bounds = array<i64: 400, 128>}, {transform_indices = @transform_1, window_bounds = array<i64: 400, 10>}, {pipeline_mode = #tpu.pipeline_mode<synchronous>, transform_indices = @transform_2, window_bounds = array<i64: 128, 128>}, {pipeline_mode = #tpu.pipeline_mode<synchronous>, transform_indices = @transform_3, window_bounds = array<i64: 10, 32>}, {pipeline_mode = #tpu.pipeline_mode<synchronous>, transform_indices = @transform_4, window_bounds = array<i64: 1, 32>}, {transform_indices = @transform_5, window_bounds = array<i64: 2, 400, 16>}, {transform_indices = @transform_6, window_bounds = array<i64: 400, 128>}, {transform_indices = @transform_7, window_bounds = array<i64: 400, 32>}]} {
    %get3A = arith.constant 0 : index
    %get3A_0 = arith.constant 0 : index
    %get3A_1 = arith.constant 0 : index
    %get3A_2 = vector.load %arg6[%get3A, %get3A_0, %get3A_1] : memref<2x400x16xf32, #tpu.memory_space<vmem>>, vector<1x400x1xf32>
    %get3A_3 = vector.shape_cast %get3A_2 : vector<1x400x1xf32> to vector<400x1xf32>
    %get3A_4 = arith.constant 1 : index
    %get3A_5 = arith.constant 0 : index
    %get3A_6 = arith.constant 0 : index
    %get3A_7 = vector.load %arg6[%get3A_4, %get3A_5, %get3A_6] : memref<2x400x16xf32, #tpu.memory_space<vmem>>, vector<1x400x1xf32>
    %get3A_8 = vector.shape_cast %get3A_7 : vector<1x400x1xf32> to vector<400x1xf32>
    %add3A = arith.addf %get3A_3, %get3A_8 : vector<400x1xf32>
    %add3A_9 = arith.constant 1.000000e+00 : f32
    %add3A_10 = vector.broadcast %add3A_9 : f32 to vector<400x1xf32>
    %add3A_11 = arith.addf %add3A, %add3A_10 : vector<400x1xf32>
    %rsqrt3A = math.rsqrt %add3A_11 : vector<400x1xf32>
    %get3A_12 = arith.constant 0 : index
    %get3A_13 = arith.constant 0 : index
    %get3A_14 = vector.load %arg1[%get3A_12, %get3A_13] : memref<400x128xf32, #tpu.memory_space<vmem>>, vector<400x128xf32>
    %get3A_15 = arith.constant 0 : index
    %get3A_16 = arith.constant 0 : index
    %get3A_17 = vector.load %arg3[%get3A_15, %get3A_16] : memref<128x128xf32, #tpu.memory_space<vmem>>, vector<128x128xf32>
    %dot_general3A = arith.constant dense<0.000000e+00> : vector<400x128xf32>
    %dot_general3A_18 = tpu.matmul %get3A_14, %get3A_17, %dot_general3A {dimension_numbers = #tpu.dot_dimension_numbers<[1], [0], [0], [1], [0, 0, 1, 1], [], []>, transpose_lhs_hint = false} : vector<400x128xf32>, vector<128x128xf32>, vector<400x128xf32> -> vector<400x128xf32>
    %mul3A = vector.broadcast %rsqrt3A : vector<400x1xf32> to vector<400x128xf32>
    %mul3A_19 = arith.mulf %mul3A, %dot_general3A_18 : vector<400x128xf32>
    %swap3A = arith.constant 0 : index
    %swap3A_20 = arith.constant 0 : index
    %swap3A_21 = vector.load %arg7[%swap3A, %swap3A_20] : memref<400x128xf32, #tpu.memory_space<vmem>>, vector<400x128xf32>
    tpu.vector_store %arg7[%swap3A, %swap3A_20], %mul3A_19 {strides = array<i32>} : memref<400x128xf32, #tpu.memory_space<vmem>>, vector<400x128xf32>,
    %get3A_22 = arith.constant 0 : index
    %get3A_23 = arith.constant 0 : index
    %get3A_24 = vector.load %arg2[%get3A_22, %get3A_23] : memref<400x10xf32, #tpu.memory_space<vmem>>, vector<400x10xf32>
    %get3A_25 = arith.constant 0 : index
    %get3A_26 = arith.constant 0 : index
    %get3A_27 = vector.load %arg4[%get3A_25, %get3A_26] : memref<10x32xf32, #tpu.memory_space<vmem>>, vector<10x32xf32>
    %dot_general3A_28 = arith.constant dense<0.000000e+00> : vector<400x32xf32>
    %dot_general3A_29 = tpu.matmul %get3A_24, %get3A_27, %dot_general3A_28 {dimension_numbers = #tpu.dot_dimension_numbers<[1], [0], [0], [1], [0, 0, 1, 1], [], []>, transpose_lhs_hint = false} : vector<400x10xf32>, vector<10x32xf32>, vector<400x32xf32> -> vector<400x32xf32>
    %get3A_30 = arith.constant 0 : index
    %get3A_31 = arith.constant 0 : index
    %get3A_32 = vector.load %arg5[%get3A_30, %get3A_31] : memref<1x32xf32, #tpu.memory_space<vmem>>, vector<1x32xf32>
    %add3A_33 = vector.broadcast %get3A_32 : vector<1x32xf32> to vector<400x32xf32>
    %add3A_34 = arith.addf %dot_general3A_29, %add3A_33 : vector<400x32xf32>
    %max3A = arith.constant 0.000000e+00 : f32
    %max3A_35 = vector.broadcast %max3A : f32 to vector<400x32xf32>
    %max3A_36 = arith.maximumf %add3A_34, %max3A_35 : vector<400x32xf32>
    %swap3A_37 = arith.constant 0 : index
    %swap3A_38 = arith.constant 0 : index
    %swap3A_39 = vector.load %arg8[%swap3A_37, %swap3A_38] : memref<400x32xf32, #tpu.memory_space<vmem>>, vector<400x32xf32>
    tpu.vector_store %arg8[%swap3A_37, %swap3A_38], %max3A_36 {strides = array<i32>} : memref<400x32xf32, #tpu.memory_space<vmem>>, vector<400x32xf32>,
    return
  }
  func.func @transform_0(%arg0: i32) -> (i32, i32) {
    %c0_i32 = arith.constant 0 : i32
    %c0_i32_0 = arith.constant 0 : i32
    return %arg0, %c0_i32 : i32, i32
  }
  func.func @transform_1(%arg0: i32) -> (i32, i32) {
    %c0_i32 = arith.constant 0 : i32
    %c0_i32_0 = arith.constant 0 : i32
    return %arg0, %c0_i32 : i32, i32
  }
  func.func @transform_2(%arg0: i32) -> (i32, i32) {
    %c0_i32 = arith.constant 0 : i32
    %c0_i32_0 = arith.constant 0 : i32
    %c0_i32_1 = arith.constant 0 : i32
    return %c0_i32, %c0_i32_0 : i32, i32
  }
  func.func @transform_3(%arg0: i32) -> (i32, i32) {
    %c0_i32 = arith.constant 0 : i32
    %c0_i32_0 = arith.constant 0 : i32
    %c0_i32_1 = arith.constant 0 : i32
    return %c0_i32, %c0_i32_0 : i32, i32
  }
  func.func @transform_4(%arg0: i32) -> (i32, i32) {
    %c0_i32 = arith.constant 0 : i32
    %c0_i32_0 = arith.constant 0 : i32
    %c0_i32_1 = arith.constant 0 : i32
    return %c0_i32, %c0_i32_0 : i32, i32
  }
  func.func @transform_5(%arg0: i32) -> (i32, i32, i32) {
    %c0_i32 = arith.constant 0 : i32
    %c0_i32_0 = arith.constant 0 : i32
    %c0_i32_1 = arith.constant 0 : i32
    return %c0_i32, %arg0, %c0_i32_0 : i32, i32, i32
  }
  func.func @transform_6(%arg0: i32) -> (i32, i32) {
    %c0_i32 = arith.constant 0 : i32
    %c0_i32_0 = arith.constant 0 : i32
    return %arg0, %c0_i32 : i32, i32
  }
  func.func @transform_7(%arg0: i32) -> (i32, i32) {
    %c0_i32 = arith.constant 0 : i32
    %c0_i32_0 = arith.constant 0 : i32
    return %arg0, %c0_i32 : i32, i32
  }
}

module attributes {stable_mosaic.version = 14 : i64} {
  func.func @_tc_combine_body(%arg0: i32, %arg1: memref<2x400x128xf32, #tpu.memory_space<vmem>>, %arg2: memref<400x128xf32, #tpu.memory_space<vmem>>, %arg3: memref<1x128xf32, #tpu.memory_space<vmem>>, %arg4: memref<128x128xf32, #tpu.memory_space<vmem>>, %arg5: memref<2x400x16xf32, #tpu.memory_space<vmem>>, %arg6: memref<400x128xf32, #tpu.memory_space<vmem>>) attributes {dimension_semantics = [#tpu.dimension_semantics<arbitrary>], iteration_bounds = array<i64: 25>, scalar_prefetch = 0 : i64, scratch_operands = 0 : i64, tpu.core_type = #tpu.core_type<tc>, window_params = [{transform_indices = @transform_0, window_bounds = array<i64: 2, 400, 128>}, {transform_indices = @transform_1, window_bounds = array<i64: 400, 128>}, {pipeline_mode = #tpu.pipeline_mode<synchronous>, transform_indices = @transform_2, window_bounds = array<i64: 1, 128>}, {pipeline_mode = #tpu.pipeline_mode<synchronous>, transform_indices = @transform_3, window_bounds = array<i64: 128, 128>}, {transform_indices = @transform_4, window_bounds = array<i64: 2, 400, 16>}, {transform_indices = @transform_5, window_bounds = array<i64: 400, 128>}]} {
    %get3A = arith.constant 0 : index
    %get3A_0 = arith.constant 0 : index
    %get3A_1 = arith.constant 0 : index
    %get3A_2 = vector.load %arg5[%get3A, %get3A_0, %get3A_1] : memref<2x400x16xf32, #tpu.memory_space<vmem>>, vector<1x400x1xf32>
    %get3A_3 = vector.shape_cast %get3A_2 : vector<1x400x1xf32> to vector<400x1xf32>
    %get3A_4 = arith.constant 1 : index
    %get3A_5 = arith.constant 0 : index
    %get3A_6 = arith.constant 0 : index
    %get3A_7 = vector.load %arg5[%get3A_4, %get3A_5, %get3A_6] : memref<2x400x16xf32, #tpu.memory_space<vmem>>, vector<1x400x1xf32>
    %get3A_8 = vector.shape_cast %get3A_7 : vector<1x400x1xf32> to vector<400x1xf32>
    %add3A = arith.addf %get3A_3, %get3A_8 : vector<400x1xf32>
    %add3A_9 = arith.constant 1.000000e+00 : f32
    %add3A_10 = vector.broadcast %add3A_9 : f32 to vector<400x1xf32>
    %add3A_11 = arith.addf %add3A, %add3A_10 : vector<400x1xf32>
    %rsqrt3A = math.rsqrt %add3A_11 : vector<400x1xf32>
    %get3A_12 = arith.constant 0 : index
    %get3A_13 = arith.constant 0 : index
    %get3A_14 = arith.constant 0 : index
    %get3A_15 = vector.load %arg1[%get3A_12, %get3A_13, %get3A_14] : memref<2x400x128xf32, #tpu.memory_space<vmem>>, vector<1x400x128xf32>
    %get3A_16 = vector.shape_cast %get3A_15 : vector<1x400x128xf32> to vector<400x128xf32>
    %get3A_17 = arith.constant 1 : index
    %get3A_18 = arith.constant 0 : index
    %get3A_19 = arith.constant 0 : index
    %get3A_20 = vector.load %arg1[%get3A_17, %get3A_18, %get3A_19] : memref<2x400x128xf32, #tpu.memory_space<vmem>>, vector<1x400x128xf32>
    %get3A_21 = vector.shape_cast %get3A_20 : vector<1x400x128xf32> to vector<400x128xf32>
    %add3A_22 = arith.addf %get3A_16, %get3A_21 : vector<400x128xf32>
    %get3A_23 = arith.constant 0 : index
    %get3A_24 = arith.constant 0 : index
    %get3A_25 = vector.load %arg2[%get3A_23, %get3A_24] : memref<400x128xf32, #tpu.memory_space<vmem>>, vector<400x128xf32>
    %add3A_26 = arith.addf %add3A_22, %get3A_25 : vector<400x128xf32>
    %mul3A = vector.broadcast %rsqrt3A : vector<400x1xf32> to vector<400x128xf32>
    %mul3A_27 = arith.mulf %mul3A, %add3A_26 : vector<400x128xf32>
    %get3A_28 = arith.constant 0 : index
    %get3A_29 = arith.constant 0 : index
    %get3A_30 = vector.load %arg3[%get3A_28, %get3A_29] : memref<1x128xf32, #tpu.memory_space<vmem>>, vector<1x128xf32>
    %add3A_31 = vector.broadcast %get3A_30 : vector<1x128xf32> to vector<400x128xf32>
    %add3A_32 = arith.addf %mul3A_27, %add3A_31 : vector<400x128xf32>
    %max3A = arith.constant 0.000000e+00 : f32
    %max3A_33 = vector.broadcast %max3A : f32 to vector<400x128xf32>
    %max3A_34 = arith.maximumf %add3A_32, %max3A_33 : vector<400x128xf32>
    %get3A_35 = arith.constant 0 : index
    %get3A_36 = arith.constant 0 : index
    %get3A_37 = vector.load %arg4[%get3A_35, %get3A_36] : memref<128x128xf32, #tpu.memory_space<vmem>>, vector<128x128xf32>
    %dot_general3A = arith.constant dense<0.000000e+00> : vector<400x128xf32>
    %dot_general3A_38 = tpu.matmul %max3A_34, %get3A_37, %dot_general3A {dimension_numbers = #tpu.dot_dimension_numbers<[1], [0], [0], [1], [0, 0, 1, 1], [], []>, transpose_lhs_hint = false} : vector<400x128xf32>, vector<128x128xf32>, vector<400x128xf32> -> vector<400x128xf32>
    %mul3A_39 = vector.broadcast %rsqrt3A : vector<400x1xf32> to vector<400x128xf32>
    %mul3A_40 = arith.mulf %mul3A_39, %dot_general3A_38 : vector<400x128xf32>
    %swap3A = arith.constant 0 : index
    %swap3A_41 = arith.constant 0 : index
    %swap3A_42 = vector.load %arg6[%swap3A, %swap3A_41] : memref<400x128xf32, #tpu.memory_space<vmem>>, vector<400x128xf32>
    tpu.vector_store %arg6[%swap3A, %swap3A_41], %mul3A_40 {strides = array<i32>} : memref<400x128xf32, #tpu.memory_space<vmem>>, vector<400x128xf32>,
    return
  }
  func.func @transform_0(%arg0: i32) -> (i32, i32, i32) {
    %c0_i32 = arith.constant 0 : i32
    %c0_i32_0 = arith.constant 0 : i32
    %c0_i32_1 = arith.constant 0 : i32
    return %c0_i32, %arg0, %c0_i32_0 : i32, i32, i32
  }
  func.func @transform_1(%arg0: i32) -> (i32, i32) {
    %c0_i32 = arith.constant 0 : i32
    %c0_i32_0 = arith.constant 0 : i32
    return %arg0, %c0_i32 : i32, i32
  }
  func.func @transform_2(%arg0: i32) -> (i32, i32) {
    %c0_i32 = arith.constant 0 : i32
    %c0_i32_0 = arith.constant 0 : i32
    %c0_i32_1 = arith.constant 0 : i32
    return %c0_i32, %c0_i32_0 : i32, i32
  }
  func.func @transform_3(%arg0: i32) -> (i32, i32) {
    %c0_i32 = arith.constant 0 : i32
    %c0_i32_0 = arith.constant 0 : i32
    %c0_i32_1 = arith.constant 0 : i32
    return %c0_i32, %c0_i32_0 : i32, i32
  }
  func.func @transform_4(%arg0: i32) -> (i32, i32, i32) {
    %c0_i32 = arith.constant 0 : i32
    %c0_i32_0 = arith.constant 0 : i32
    %c0_i32_1 = arith.constant 0 : i32
    return %c0_i32, %arg0, %c0_i32_0 : i32, i32, i32
  }
  func.func @transform_5(%arg0: i32) -> (i32, i32) {
    %c0_i32 = arith.constant 0 : i32
    %c0_i32_0 = arith.constant 0 : i32
    return %arg0, %c0_i32 : i32, i32
  }
}

module attributes {stable_mosaic.version = 14 : i64} {
  func.func @_tc_combine_body(%arg0: i32, %arg1: memref<2x400x128xf32, #tpu.memory_space<vmem>>, %arg2: memref<400x128xf32, #tpu.memory_space<vmem>>, %arg3: memref<1x128xf32, #tpu.memory_space<vmem>>, %arg4: memref<128x64xf32, #tpu.memory_space<vmem>>, %arg5: memref<2x400x16xf32, #tpu.memory_space<vmem>>, %arg6: memref<400x64xf32, #tpu.memory_space<vmem>>) attributes {dimension_semantics = [#tpu.dimension_semantics<arbitrary>], iteration_bounds = array<i64: 25>, scalar_prefetch = 0 : i64, scratch_operands = 0 : i64, tpu.core_type = #tpu.core_type<tc>, window_params = [{transform_indices = @transform_0, window_bounds = array<i64: 2, 400, 128>}, {transform_indices = @transform_1, window_bounds = array<i64: 400, 128>}, {pipeline_mode = #tpu.pipeline_mode<synchronous>, transform_indices = @transform_2, window_bounds = array<i64: 1, 128>}, {pipeline_mode = #tpu.pipeline_mode<synchronous>, transform_indices = @transform_3, window_bounds = array<i64: 128, 64>}, {transform_indices = @transform_4, window_bounds = array<i64: 2, 400, 16>}, {transform_indices = @transform_5, window_bounds = array<i64: 400, 64>}]} {
    %get3A = arith.constant 0 : index
    %get3A_0 = arith.constant 0 : index
    %get3A_1 = arith.constant 0 : index
    %get3A_2 = vector.load %arg5[%get3A, %get3A_0, %get3A_1] : memref<2x400x16xf32, #tpu.memory_space<vmem>>, vector<1x400x1xf32>
    %get3A_3 = vector.shape_cast %get3A_2 : vector<1x400x1xf32> to vector<400x1xf32>
    %get3A_4 = arith.constant 1 : index
    %get3A_5 = arith.constant 0 : index
    %get3A_6 = arith.constant 0 : index
    %get3A_7 = vector.load %arg5[%get3A_4, %get3A_5, %get3A_6] : memref<2x400x16xf32, #tpu.memory_space<vmem>>, vector<1x400x1xf32>
    %get3A_8 = vector.shape_cast %get3A_7 : vector<1x400x1xf32> to vector<400x1xf32>
    %add3A = arith.addf %get3A_3, %get3A_8 : vector<400x1xf32>
    %add3A_9 = arith.constant 1.000000e+00 : f32
    %add3A_10 = vector.broadcast %add3A_9 : f32 to vector<400x1xf32>
    %add3A_11 = arith.addf %add3A, %add3A_10 : vector<400x1xf32>
    %rsqrt3A = math.rsqrt %add3A_11 : vector<400x1xf32>
    %get3A_12 = arith.constant 0 : index
    %get3A_13 = arith.constant 0 : index
    %get3A_14 = arith.constant 0 : index
    %get3A_15 = vector.load %arg1[%get3A_12, %get3A_13, %get3A_14] : memref<2x400x128xf32, #tpu.memory_space<vmem>>, vector<1x400x128xf32>
    %get3A_16 = vector.shape_cast %get3A_15 : vector<1x400x128xf32> to vector<400x128xf32>
    %get3A_17 = arith.constant 1 : index
    %get3A_18 = arith.constant 0 : index
    %get3A_19 = arith.constant 0 : index
    %get3A_20 = vector.load %arg1[%get3A_17, %get3A_18, %get3A_19] : memref<2x400x128xf32, #tpu.memory_space<vmem>>, vector<1x400x128xf32>
    %get3A_21 = vector.shape_cast %get3A_20 : vector<1x400x128xf32> to vector<400x128xf32>
    %add3A_22 = arith.addf %get3A_16, %get3A_21 : vector<400x128xf32>
    %get3A_23 = arith.constant 0 : index
    %get3A_24 = arith.constant 0 : index
    %get3A_25 = vector.load %arg2[%get3A_23, %get3A_24] : memref<400x128xf32, #tpu.memory_space<vmem>>, vector<400x128xf32>
    %add3A_26 = arith.addf %add3A_22, %get3A_25 : vector<400x128xf32>
    %mul3A = vector.broadcast %rsqrt3A : vector<400x1xf32> to vector<400x128xf32>
    %mul3A_27 = arith.mulf %mul3A, %add3A_26 : vector<400x128xf32>
    %get3A_28 = arith.constant 0 : index
    %get3A_29 = arith.constant 0 : index
    %get3A_30 = vector.load %arg3[%get3A_28, %get3A_29] : memref<1x128xf32, #tpu.memory_space<vmem>>, vector<1x128xf32>
    %add3A_31 = vector.broadcast %get3A_30 : vector<1x128xf32> to vector<400x128xf32>
    %add3A_32 = arith.addf %mul3A_27, %add3A_31 : vector<400x128xf32>
    %max3A = arith.constant 0.000000e+00 : f32
    %max3A_33 = vector.broadcast %max3A : f32 to vector<400x128xf32>
    %max3A_34 = arith.maximumf %add3A_32, %max3A_33 : vector<400x128xf32>
    %get3A_35 = arith.constant 0 : index
    %get3A_36 = arith.constant 0 : index
    %get3A_37 = vector.load %arg4[%get3A_35, %get3A_36] : memref<128x64xf32, #tpu.memory_space<vmem>>, vector<128x64xf32>
    %dot_general3A = arith.constant dense<0.000000e+00> : vector<400x64xf32>
    %dot_general3A_38 = tpu.matmul %max3A_34, %get3A_37, %dot_general3A {dimension_numbers = #tpu.dot_dimension_numbers<[1], [0], [0], [1], [0, 0, 1, 1], [], []>, transpose_lhs_hint = false} : vector<400x128xf32>, vector<128x64xf32>, vector<400x64xf32> -> vector<400x64xf32>
    %mul3A_39 = vector.broadcast %rsqrt3A : vector<400x1xf32> to vector<400x64xf32>
    %mul3A_40 = arith.mulf %mul3A_39, %dot_general3A_38 : vector<400x64xf32>
    %swap3A = arith.constant 0 : index
    %swap3A_41 = arith.constant 0 : index
    %swap3A_42 = vector.load %arg6[%swap3A, %swap3A_41] : memref<400x64xf32, #tpu.memory_space<vmem>>, vector<400x64xf32>
    tpu.vector_store %arg6[%swap3A, %swap3A_41], %mul3A_40 {strides = array<i32>} : memref<400x64xf32, #tpu.memory_space<vmem>>, vector<400x64xf32>,
    return
  }
  func.func @transform_0(%arg0: i32) -> (i32, i32, i32) {
    %c0_i32 = arith.constant 0 : i32
    %c0_i32_0 = arith.constant 0 : i32
    %c0_i32_1 = arith.constant 0 : i32
    return %c0_i32, %arg0, %c0_i32_0 : i32, i32, i32
  }
  func.func @transform_1(%arg0: i32) -> (i32, i32) {
    %c0_i32 = arith.constant 0 : i32
    %c0_i32_0 = arith.constant 0 : i32
    return %arg0, %c0_i32 : i32, i32
  }
  func.func @transform_2(%arg0: i32) -> (i32, i32) {
    %c0_i32 = arith.constant 0 : i32
    %c0_i32_0 = arith.constant 0 : i32
    %c0_i32_1 = arith.constant 0 : i32
    return %c0_i32, %c0_i32_0 : i32, i32
  }
  func.func @transform_3(%arg0: i32) -> (i32, i32) {
    %c0_i32 = arith.constant 0 : i32
    %c0_i32_0 = arith.constant 0 : i32
    %c0_i32_1 = arith.constant 0 : i32
    return %c0_i32, %c0_i32_0 : i32, i32
  }
  func.func @transform_4(%arg0: i32) -> (i32, i32, i32) {
    %c0_i32 = arith.constant 0 : i32
    %c0_i32_0 = arith.constant 0 : i32
    %c0_i32_1 = arith.constant 0 : i32
    return %c0_i32, %arg0, %c0_i32_0 : i32, i32, i32
  }
  func.func @transform_5(%arg0: i32) -> (i32, i32) {
    %c0_i32 = arith.constant 0 : i32
    %c0_i32_0 = arith.constant 0 : i32
    return %arg0, %c0_i32 : i32, i32
  }
}

module attributes {stable_mosaic.version = 14 : i64} {
  func.func @_tc_head_body(%arg0: i32, %arg1: memref<2x400x64xf32, #tpu.memory_space<vmem>>, %arg2: memref<400x64xf32, #tpu.memory_space<vmem>>, %arg3: memref<1x64xf32, #tpu.memory_space<vmem>>, %arg4: memref<400x32xf32, #tpu.memory_space<vmem>>, %arg5: memref<64x64xf32, #tpu.memory_space<vmem>>, %arg6: memref<32x64xf32, #tpu.memory_space<vmem>>, %arg7: memref<1x64xf32, #tpu.memory_space<vmem>>, %arg8: memref<64x1xf32, #tpu.memory_space<vmem>>, %arg9: memref<1x1xf32, #tpu.memory_space<vmem>>, %arg10: memref<2x400x16xf32, #tpu.memory_space<vmem>>, %arg11: memref<400x1xf32, #tpu.memory_space<vmem>>) attributes {dimension_semantics = [#tpu.dimension_semantics<arbitrary>], iteration_bounds = array<i64: 25>, scalar_prefetch = 0 : i64, scratch_operands = 0 : i64, tpu.core_type = #tpu.core_type<tc>, window_params = [{transform_indices = @transform_0, window_bounds = array<i64: 2, 400, 64>}, {transform_indices = @transform_1, window_bounds = array<i64: 400, 64>}, {pipeline_mode = #tpu.pipeline_mode<synchronous>, transform_indices = @transform_2, window_bounds = array<i64: 1, 64>}, {transform_indices = @transform_3, window_bounds = array<i64: 400, 32>}, {pipeline_mode = #tpu.pipeline_mode<synchronous>, transform_indices = @transform_4, window_bounds = array<i64: 64, 64>}, {pipeline_mode = #tpu.pipeline_mode<synchronous>, transform_indices = @transform_5, window_bounds = array<i64: 32, 64>}, {pipeline_mode = #tpu.pipeline_mode<synchronous>, transform_indices = @transform_6, window_bounds = array<i64: 1, 64>}, {pipeline_mode = #tpu.pipeline_mode<synchronous>, transform_indices = @transform_7, window_bounds = array<i64: 64, 1>}, {pipeline_mode = #tpu.pipeline_mode<synchronous>, transform_indices = @transform_8, window_bounds = array<i64: 1, 1>}, {transform_indices = @transform_9, window_bounds = array<i64: 2, 400, 16>}, {transform_indices = @transform_10, window_bounds = array<i64: 400, 1>}]} {
    %get3A = arith.constant 0 : index
    %get3A_0 = arith.constant 0 : index
    %get3A_1 = arith.constant 0 : index
    %get3A_2 = vector.load %arg10[%get3A, %get3A_0, %get3A_1] : memref<2x400x16xf32, #tpu.memory_space<vmem>>, vector<1x400x1xf32>
    %get3A_3 = vector.shape_cast %get3A_2 : vector<1x400x1xf32> to vector<400x1xf32>
    %get3A_4 = arith.constant 1 : index
    %get3A_5 = arith.constant 0 : index
    %get3A_6 = arith.constant 0 : index
    %get3A_7 = vector.load %arg10[%get3A_4, %get3A_5, %get3A_6] : memref<2x400x16xf32, #tpu.memory_space<vmem>>, vector<1x400x1xf32>
    %get3A_8 = vector.shape_cast %get3A_7 : vector<1x400x1xf32> to vector<400x1xf32>
    %add3A = arith.addf %get3A_3, %get3A_8 : vector<400x1xf32>
    %add3A_9 = arith.constant 1.000000e+00 : f32
    %add3A_10 = vector.broadcast %add3A_9 : f32 to vector<400x1xf32>
    %add3A_11 = arith.addf %add3A, %add3A_10 : vector<400x1xf32>
    %rsqrt3A = math.rsqrt %add3A_11 : vector<400x1xf32>
    %get3A_12 = arith.constant 0 : index
    %get3A_13 = arith.constant 0 : index
    %get3A_14 = arith.constant 0 : index
    %get3A_15 = vector.load %arg1[%get3A_12, %get3A_13, %get3A_14] : memref<2x400x64xf32, #tpu.memory_space<vmem>>, vector<1x400x64xf32>
    %get3A_16 = vector.shape_cast %get3A_15 : vector<1x400x64xf32> to vector<400x64xf32>
    %get3A_17 = arith.constant 1 : index
    %get3A_18 = arith.constant 0 : index
    %get3A_19 = arith.constant 0 : index
    %get3A_20 = vector.load %arg1[%get3A_17, %get3A_18, %get3A_19] : memref<2x400x64xf32, #tpu.memory_space<vmem>>, vector<1x400x64xf32>
    %get3A_21 = vector.shape_cast %get3A_20 : vector<1x400x64xf32> to vector<400x64xf32>
    %add3A_22 = arith.addf %get3A_16, %get3A_21 : vector<400x64xf32>
    %get3A_23 = arith.constant 0 : index
    %get3A_24 = arith.constant 0 : index
    %get3A_25 = vector.load %arg2[%get3A_23, %get3A_24] : memref<400x64xf32, #tpu.memory_space<vmem>>, vector<400x64xf32>
    %add3A_26 = arith.addf %add3A_22, %get3A_25 : vector<400x64xf32>
    %mul3A = vector.broadcast %rsqrt3A : vector<400x1xf32> to vector<400x64xf32>
    %mul3A_27 = arith.mulf %mul3A, %add3A_26 : vector<400x64xf32>
    %get3A_28 = arith.constant 0 : index
    %get3A_29 = arith.constant 0 : index
    %get3A_30 = vector.load %arg3[%get3A_28, %get3A_29] : memref<1x64xf32, #tpu.memory_space<vmem>>, vector<1x64xf32>
    %add3A_31 = vector.broadcast %get3A_30 : vector<1x64xf32> to vector<400x64xf32>
    %add3A_32 = arith.addf %mul3A_27, %add3A_31 : vector<400x64xf32>
    %max3A = arith.constant 0.000000e+00 : f32
    %max3A_33 = vector.broadcast %max3A : f32 to vector<400x64xf32>
    %max3A_34 = arith.maximumf %add3A_32, %max3A_33 : vector<400x64xf32>
    %get3A_35 = arith.constant 0 : index
    %get3A_36 = arith.constant 0 : index
    %get3A_37 = vector.load %arg5[%get3A_35, %get3A_36] : memref<64x64xf32, #tpu.memory_space<vmem>>, vector<64x64xf32>
    %dot_general3A = arith.constant dense<0.000000e+00> : vector<400x64xf32>
    %dot_general3A_38 = tpu.matmul %max3A_34, %get3A_37, %dot_general3A {dimension_numbers = #tpu.dot_dimension_numbers<[1], [0], [0], [1], [0, 0, 1, 1], [], []>, transpose_lhs_hint = false} : vector<400x64xf32>, vector<64x64xf32>, vector<400x64xf32> -> vector<400x64xf32>
    %get3A_39 = arith.constant 0 : index
    %get3A_40 = arith.constant 0 : index
    %get3A_41 = vector.load %arg4[%get3A_39, %get3A_40] : memref<400x32xf32, #tpu.memory_space<vmem>>, vector<400x32xf32>
    %get3A_42 = arith.constant 0 : index
    %get3A_43 = arith.constant 0 : index
    %get3A_44 = vector.load %arg6[%get3A_42, %get3A_43] : memref<32x64xf32, #tpu.memory_space<vmem>>, vector<32x64xf32>
    %dot_general3A_45 = arith.constant dense<0.000000e+00> : vector<400x64xf32>
    %dot_general3A_46 = tpu.matmul %get3A_41, %get3A_44, %dot_general3A_45 {dimension_numbers = #tpu.dot_dimension_numbers<[1], [0], [0], [1], [0, 0, 1, 1], [], []>, transpose_lhs_hint = false} : vector<400x32xf32>, vector<32x64xf32>, vector<400x64xf32> -> vector<400x64xf32>
    %add3A_47 = arith.addf %dot_general3A_38, %dot_general3A_46 : vector<400x64xf32>
    %get3A_48 = arith.constant 0 : index
    %get3A_49 = arith.constant 0 : index
    %get3A_50 = vector.load %arg7[%get3A_48, %get3A_49] : memref<1x64xf32, #tpu.memory_space<vmem>>, vector<1x64xf32>
    %add3A_51 = vector.broadcast %get3A_50 : vector<1x64xf32> to vector<400x64xf32>
    %add3A_52 = arith.addf %add3A_47, %add3A_51 : vector<400x64xf32>
    %max3A_53 = arith.constant 0.000000e+00 : f32
    %max3A_54 = vector.broadcast %max3A_53 : f32 to vector<400x64xf32>
    %max3A_55 = arith.maximumf %add3A_52, %max3A_54 : vector<400x64xf32>
    %get3A_56 = arith.constant 0 : index
    %get3A_57 = arith.constant 0 : index
    %get3A_58 = vector.load %arg8[%get3A_56, %get3A_57] : memref<64x1xf32, #tpu.memory_space<vmem>>, vector<64x1xf32>
    %dot_general3A_59 = arith.constant dense<0.000000e+00> : vector<400x1xf32>
    %dot_general3A_60 = tpu.matmul %max3A_55, %get3A_58, %dot_general3A_59 {dimension_numbers = #tpu.dot_dimension_numbers<[1], [0], [0], [1], [0, 0, 1, 1], [], []>, transpose_lhs_hint = false} : vector<400x64xf32>, vector<64x1xf32>, vector<400x1xf32> -> vector<400x1xf32>
    %get3A_61 = arith.constant 0 : index
    %get3A_62 = arith.constant 0 : index
    %get3A_63 = vector.load %arg9[%get3A_61, %get3A_62] : memref<1x1xf32, #tpu.memory_space<vmem>>, vector<1x1xf32>
    %add3A_64 = vector.broadcast %get3A_63 : vector<1x1xf32> to vector<400x1xf32>
    %add3A_65 = arith.addf %dot_general3A_60, %add3A_64 : vector<400x1xf32>
    %logistic3A = arith.negf %add3A_65 : vector<400x1xf32>
    %logistic3A_66 = math.exp %logistic3A : vector<400x1xf32>
    %logistic3A_67 = arith.constant 1.000000e+00 : f32
    %logistic3A_68 = vector.broadcast %logistic3A_67 : f32 to vector<400x1xf32>
    %logistic3A_69 = arith.addf %logistic3A_68, %logistic3A_66 : vector<400x1xf32>
    %logistic3A_70 = arith.divf %logistic3A_68, %logistic3A_69 : vector<400x1xf32>
    %swap3A = arith.constant 0 : index
    %swap3A_71 = arith.constant 0 : index
    %swap3A_72 = vector.load %arg11[%swap3A, %swap3A_71] : memref<400x1xf32, #tpu.memory_space<vmem>>, vector<400x1xf32>
    tpu.vector_store %arg11[%swap3A, %swap3A_71], %logistic3A_70 {strides = array<i32>} : memref<400x1xf32, #tpu.memory_space<vmem>>, vector<400x1xf32>,
    return
  }
  func.func @transform_0(%arg0: i32) -> (i32, i32, i32) {
    %c0_i32 = arith.constant 0 : i32
    %c0_i32_0 = arith.constant 0 : i32
    %c0_i32_1 = arith.constant 0 : i32
    return %c0_i32, %arg0, %c0_i32_0 : i32, i32, i32
  }
  func.func @transform_1(%arg0: i32) -> (i32, i32) {
    %c0_i32 = arith.constant 0 : i32
    %c0_i32_0 = arith.constant 0 : i32
    return %arg0, %c0_i32 : i32, i32
  }
  func.func @transform_2(%arg0: i32) -> (i32, i32) {
    %c0_i32 = arith.constant 0 : i32
    %c0_i32_0 = arith.constant 0 : i32
    %c0_i32_1 = arith.constant 0 : i32
    return %c0_i32, %c0_i32_0 : i32, i32
  }
  func.func @transform_3(%arg0: i32) -> (i32, i32) {
    %c0_i32 = arith.constant 0 : i32
    %c0_i32_0 = arith.constant 0 : i32
    return %arg0, %c0_i32 : i32, i32
  }
  func.func @transform_4(%arg0: i32) -> (i32, i32) {
    %c0_i32 = arith.constant 0 : i32
    %c0_i32_0 = arith.constant 0 : i32
    %c0_i32_1 = arith.constant 0 : i32
    return %c0_i32, %c0_i32_0 : i32, i32
  }
  func.func @transform_5(%arg0: i32) -> (i32, i32) {
    %c0_i32 = arith.constant 0 : i32
    %c0_i32_0 = arith.constant 0 : i32
    %c0_i32_1 = arith.constant 0 : i32
    return %c0_i32, %c0_i32_0 : i32, i32
  }
  func.func @transform_6(%arg0: i32) -> (i32, i32) {
    %c0_i32 = arith.constant 0 : i32
    %c0_i32_0 = arith.constant 0 : i32
    %c0_i32_1 = arith.constant 0 : i32
    return %c0_i32, %c0_i32_0 : i32, i32
  }
  func.func @transform_7(%arg0: i32) -> (i32, i32) {
    %c0_i32 = arith.constant 0 : i32
    %c0_i32_0 = arith.constant 0 : i32
    %c0_i32_1 = arith.constant 0 : i32
    return %c0_i32, %c0_i32_0 : i32, i32
  }
  func.func @transform_8(%arg0: i32) -> (i32, i32) {
    %c0_i32 = arith.constant 0 : i32
    %c0_i32_0 = arith.constant 0 : i32
    %c0_i32_1 = arith.constant 0 : i32
    return %c0_i32, %c0_i32_0 : i32, i32
  }
  func.func @transform_9(%arg0: i32) -> (i32, i32, i32) {
    %c0_i32 = arith.constant 0 : i32
    %c0_i32_0 = arith.constant 0 : i32
    %c0_i32_1 = arith.constant 0 : i32
    return %c0_i32, %arg0, %c0_i32_0 : i32, i32, i32
  }
  func.func @transform_10(%arg0: i32) -> (i32, i32) {
    %c0_i32 = arith.constant 0 : i32
    %c0_i32_0 = arith.constant 0 : i32
    return %arg0, %c0_i32 : i32, i32
  }
}

</mosaic_0001>

<sc_bundles>
// kernel: kernel.10.cloned.1.call-start
scs
__scs_entry_jumppad:
0x0: {  	(pc) =	sbr.rel $0x88, $3  }
0x1: {  	(tag) =	ssettag $0x0;
	lr =	simm.s32 $0x1  }
0x2: {  	[smem:$0x3F93] =	sst lr;
	_ =	strace $0xD0000000  }
0x3: {  	_ = 	snop  }
0x4: {  	_ = 	snop  }
0x5: {  	_ = 	snop  }
0x6: {  	_ = 	snop  }
0x7: {  	_ = 	snop  }
__scs_overlays_trampoline_lowered:
0x8: {  	[smem:$0x3FA2] =	sst s0  }
0x9: {  	[smem:$0x3FA3] =	sst s1  }
0xa: {  	[smem:$0x3FA4] =	sst s2  }
0xb: {  	[smem:$0x3FA5] =	sst s3  }
0xc: {  	[smem:$0x3FA6] =	sst s4  }
0xd: {  	[smem:$0x3FA7] =	sst s5  }
0xe: {  	[smem:$0x3FA8] =	sst s6  }
0xf: {  	[smem:$0x3FA9] =	sst s7  }
0x10: {  	[smem:$0x3FAA] =	sst s8  }
0x11: {  	[smem:$0x3FAB] =	sst s9;
	s0 =	simm.s32 @!p0 $0x0  }
0x12: {  	s1 =	sld [smem:$0x3F91];
	s0 =	simm.s32 @p0 $0x1  }
0x13: {  	[smem:$0x3FAC] =	sst s0;
	s0 =	simm.s32 @!p1 $0x0  }
0x14: {  	s2 =	sld [smem:$0x3F90];
	s0 =	simm.s32 @p1 $0x1  }
0x15: {  	[smem:$0x3FAD] =	sst s0;
	s0 =	simm.s32 @!p2 $0x0  }
0x16: {  	s3 =	sld [smem:$0x3FDB];
	s0 =	simm.s32 @p2 $0x1  }
0x17: {  	s4 =	simm.s32 $0x1BF5;
	[smem:$0x3FAF] =	sst s0  }
0x18: {  	s0 =	sld [smem:$0x3F92];
	_ =	swait.ge [sflag:s4], $0x0  }
0x19: {  	s7 =	sld [smem:$0x3F93]  }
0x1a: {  	s8 =	sadd.s32 $0xFFFFE003, lr  }
0x1b: {  	s9 =	sadd.s32 $0xFFFFFEF7, lr;
	s5 =	simm.s32 $0xFFFFFFFF;
	p2 =	slt.u32 s8, $0xFFFFF086  }
0x1c: {  	p1 =	slt.u32 s9, $0xF7A;
	s5 =	simm.s32 @!p2 $0x0  }
0x1d: {  	s5 =	simm.s32 @p1 $0x1;
	p0 =	seq.s32 s7, s2  }
0x1e: {  	s7 =	smul.u32 @!p0 $0xF7A, s2;
	p2 =	seq.s32 @!p0 s5, $0x0  }
0x1f: {  	s9 =	smul.u32 $0xF7A, s1;
	s8 =	simm.s32 @!p0 $0x1BF5;
	p2 =	por !p2, p0  }
0x20: {  	[sflag:s8] =	ssyncset.s32 @!p0 $0xFFFFF086;
	s6 =	sadd.s32 @!p0 s3, s7;
	s7 =	simm.s32 @!p0 $0x108  }
0x21: {  	s3 =	sadd.s32 s3, s9;
	s6 =	sadd.s32 @!p0 $0x88, s6;
	s7 =	simm.s32 @p2 $0x1082  }
0x22: {  	[simem:s7], [sflag:s8] =	dma.local @!p0 [hbm:s6], $0xF7A  }
0x23: {  	s9 =	sor.u32 $0xD0000000, s2;
	s6 =	simm.s32 $0x108;
	_ =	swait.ge @!p0 [sflag:s8], $0x0  }
0x24: {  	s3 =	sadd.s32 $0x88, s3;
	s6 =	simm.s32 @!p1 $0x1082;
	[sflag:s4] =	ssyncset.s32 $0xFFFFF086  }
0x25: {  	[simem:s6], [sflag:s4] =	dma.local [hbm:s3], $0xF7A  }
0x26: {  	[smem:$0x3F93] =	sst s1;
	(tag) =	ssettag s2;
	_ =	strace s9  }
0x27: {  	s1 =	sld [smem:$0x3FA3]  }
0x28: {  	s2 =	sld [smem:$0x3FA4]  }
0x29: {  	s4 =	sld [smem:$0x3FA6]  }
0x2a: {  	p0 =	seq.s32 s5, $0x0;
	s5 =	sld [smem:$0x3FA7]  }
0x2b: {  	s6 =	sld [smem:$0x3FA8]  }
0x2c: {  	s7 =	sld [smem:$0x3FA9]  }
0x2d: {  	s3 =	simm.s32 $0x108;
	s8 =	sld [smem:$0x3FAA]  }
0x2e: {  	s3 =	simm.s32 @!p0 $0x1082;
	s9 =	sld [smem:$0x3FAB]  }
0x2f: {  	lr =	sadd.s32 s0, s3;
	s0 =	sld [smem:$0x3FA2]  }
0x30: {  	s3 =	sld [smem:$0x3FA5]  }
0x31: {  	[smem:$0x3FAE] =	sst s10  }
0x32: {  	s10 =	sld [smem:$0x3FAC];
	_ =	sdelay $0x3  }
0x33: {  	p0 =	seq.s32 s10, $0x1;
	s10 =	sld [smem:$0x3FAE];
	_ =	sdelay $0x3  }
0x34: {  	[smem:$0x3FAE] =	sst s10  }
0x35: {  	s10 =	sld [smem:$0x3FAD];
	_ =	sdelay $0x3  }
0x36: {  	p1 =	seq.s32 s10, $0x1;
	s10 =	sld [smem:$0x3FAE];
	_ =	sdelay $0x3  }
0x37: {  	[smem:$0x3FAE] =	sst s10  }
0x38: {  	s10 =	sld [smem:$0x3FAF]  }
0x39: {  	_ = 	snop;
	(pc) =	sbr.ind lr, $3  }
0x3a: {  	_ = 	snop  }
0x3b: {  	_ = 	snop  }
0x3c: {  	p2 =	seq.s32 s10, $0x1;
	s10 =	sld [smem:$0x3FAE]  }
0x3d: {  	_ =	shalt  }
0x3e: {  	_ =	shalt  }
0x3f: {  	_ =	shalt  }
0x40: {  	_ =	shalt  }
0x41: {  	_ =	shalt  }
0x42: {  	_ =	shalt  }
0x43: {  	_ =	shalt  }
0x44: {  	_ =	shalt  }
0x45: {  	_ =	shalt  }
0x46: {  	_ =	shalt  }
0x47: {  	_ =	shalt  }
0x48: {  	_ =	shalt  }
0x49: {  	_ =	shalt  }
0x4a: {  	_ =	shalt  }
0x4b: {  	_ =	shalt  }
0x4c: {  	_ =	shalt  }
0x4d: {  	_ =	shalt  }
0x4e: {  	_ =	shalt  }
0x4f: {  	_ =	shalt  }
0x50: {  	_ =	shalt  }
0x51: {  	_ =	shalt  }
0x52: {  	_ =	shalt  }
0x53: {  	_ =	shalt  }
0x54: {  	_ =	shalt  }
0x55: {  	_ =	shalt  }
0x56: {  	_ =	shalt  }
0x57: {  	_ =	shalt  }
0x58: {  	_ =	shalt  }
0x59: {  	_ =	shalt  }
0x5a: {  	_ =	shalt  }
0x5b: {  	_ =	shalt  }
0x5c: {  	_ =	shalt  }
0x5d: {  	_ =	shalt  }
0x5e: {  	_ =	shalt  }
0x5f: {  	_ =	shalt  }
0x60: {  	_ =	shalt  }
0x61: {  	_ =	shalt  }
0x62: {  	_ =	shalt  }
0x63: {  	_ =	shalt  }
0x64: {  	_ =	shalt  }
0x65: {  	_ =	shalt  }
0x66: {  	_ =	shalt  }
0x67: {  	_ =	shalt  }
0x68: {  	_ =	shalt  }
0x69: {  	_ =	shalt  }
0x6a: {  	_ =	shalt  }
0x6b: {  	_ =	shalt  }
0x6c: {  	_ =	shalt  }
0x6d: {  	_ =	shalt  }
0x6e: {  	_ =	shalt  }
0x6f: {  	_ =	shalt  }
0x70: {  	_ =	shalt  }
0x71: {  	_ =	shalt  }
0x72: {  	_ =	shalt  }
0x73: {  	_ =	shalt  }
0x74: {  	_ =	shalt  }
0x75: {  	_ =	shalt  }
0x76: {  	_ =	shalt  }
0x77: {  	_ =	shalt  }
0x78: {  	_ =	shalt  }
0x79: {  	_ =	shalt  }
0x7a: {  	_ =	shalt  }
0x7b: {  	_ =	shalt  }
0x7c: {  	_ =	shalt  }
0x7d: {  	_ =	shalt  }
0x7e: {  	_ =	shalt  }
0x7f: {  	_ =	shalt  }
0x80: {  	_ =	shalt  }
0x81: {  	_ =	shalt  }
0x82: {  	_ =	shalt  }
0x83: {  	_ =	shalt  }
0x84: {  	_ =	shalt  }
0x85: {  	_ =	shalt  }
0x86: {  	_ =	shalt  }
0x87: {  	_ =	shalt  }
.Lfunc_end0:
.L_simem_size_0:
called_computation_lowered:
.L_overlay_start_0:
0x88: {  	s2 =	sld [smem:$0x3FD9]  }
0x89: {  	s3 =	sld [smem:$0x3FFE];
	_ =	sdelay $0x1  }
0x8a: {  	s1 =	srdreg.scid  }
0x8b: {  	s0 =	sand.u32 $0x1, s1  }
0x8c: {  	s17 =	sshll.u32 s0, $0xA;
	s2 =	sadd.s32 s3, s2  }
0x8d: {  	s2 =	sadd.s32 s2, s17  }
0x8e: {  	[smem:$0x3FBA] =	sst s2  }
0x8f: {  	_ = 	snop  }
0x90: {  	s2 =	sld [smem:$0x3FD0];
	(tm) =	ssettm $0x1  }
0x91: {  	s18 =	sld [smem:$0x3FFB];
	_ =	sdelay $0x3  }
0x92: {  	_ =	strace s18  }
0x93: {  	s3 =	sld [smem:$0x3FFC];
	_ =	sdelay $0x3  }
0x94: {  	_ =	strace s3  }
0x95: {  	s3 =	sld [smem:$0x3FFD];
	_ =	sdelay $0x3  }
0x96: {  	_ =	strace s3  }
0x97: {  	_ =	strace $0x8FFFFFFF  }
0x98: {  	s19 =	sld [smem:$0x3FDB];
	_ =	sdelay $0x1  }
0x99: {  	s4 =	simm.s32 $_scs_section_size  }
0x9a: {  	s5 =	simm.s32 $_size__tile_overlayer_lowered;
	s6 =	simm.s32 $_tile_overlayer_lowered  }
0x9b: {  	s22 =	simm.s32 $0x1BFF;
	s21 =	sshll.u32 s6, $0x1;
	s3 =	sadd.s32 s4, s19  }
0x9c: {  	s7 =	simm.s32 $0x0;
	s20 =	sshll.u32 s5, $0x1;
	s5 =	sadd.s32 s21, s3  }
0x9d: {  	[timem:s7], [sflag:s22] =	dma.local [hbm:s5], s20  }
0x9e: {  	_ =	swait.ge [sflag:s22], s20  }
0x9f: {  	s4 =	ssub.s32 $0x0, s20;
	[sflag:s22] =	ssyncset.done $0x0  }
0xa0: {  	[sflag:s22] =	ssyncadd.s32 s4;
	_ =	sdelay $0x1  }
0xa1: {  	s23 =	simm.s32 $0x1B8B  }
0xa2: {  	_ =	swait.ge [sflag:s23], $0x1  }
0xa3: {  	[sflag:s23] =	ssyncset.done $0x0  }
0xa4: {  	s25 =	simm.s32 $0x1B8E;
	s24 =	sld [smem:$0x3FFE];
	[sflag:s23] =	ssyncadd.s32 $0xFFFFFFFF  }
0xa5: {  	s26 =	simm.s32 $execute0_lowered;
	[smem:$0x3FD2] =	sst s25  }
0xa6: {  	s5 =	sshll.u32 s26, $0x1;
	_ =	strace $0x80000046;
	[dreg:$0x1] =	wrdreg $0xFFFFFFFF  }
0xa7: {  	s28 =	simm.s32 $_size_execute0_lowered;
	s3 =	sadd.s32 s3, s5;
	[dreg:$0x0] =	wrdreg $0x0  }
0xa8: {  	s5 =	sshll.u32 s28, $0x1;
	[dreg:$0x2] =	wrdreg s3  }
0xa9: {  	[dreg:$0x3] =	wrdreg s5  }
0xaa: {  	[dreg:$0x4] =	wrdreg $0xC0  }
0xab: {  	_ =	task [dreg:s7], $0x5FFFF  }
0xac: {  	[dreg:$0x1] =	wrdreg $0xFFFFFFFF  }
0xad: {  	[dreg:$0x0] =	wrdreg $0x60  }
0xae: {  	[dreg:$0x2] =	wrdreg s24  }
0xaf: {  	[dreg:$0x3] =	wrdreg s2  }
0xb0: {  	[dreg:$0x4] =	wrdreg $0x2FD00  }
0xb1: {  	[dreg:$0x5] =	wrdreg $0x9  }
0xb2: {  	_ =	task.clear_ibuf [dreg:s7], $0x6FFFF;
	_ =	strace $0x90000046  }
0xb3: {  	s29 =	simm.s32 $0x9;
	_ =	strace $0x80000048  }
0xb4: {  	_ =	swait.ge [sflag:s29], $0x1  }
0xb5: {  	[sflag:s29] =	ssyncadd.s32 $0xFFFFFFFF  }
0xb6: {  	_ =	strace $0x90000048  }
0xb7: {  	_ =	sfence  }
0xb8: {  	s30 =	sld [smem:$0x0];
	_ =	sdelay $0x2  }
0xb9: {  	s31 =	sshll.u32 s1, $0xD;
	s1 =	sshrl.u32 s1, $0x2  }
0xba: {  	s3 =	sand.u32 $0x4000, s31;
	s1 =	sadd.s32 s1, s30  }
0xbb: {  	s0 =	sor.u32 s3, s0;
	s1 =	sshll.u32 s1, $0x11  }
0xbc: {  	s0 =	sor.u32 s1, s0  }
0xbd: {  	s0 =	sadd.s32 $0x8F2B, s0  }
0xbe: {  	[sflag:s0] =	ssyncadd.remote.s32 $0x1  }
0xbf: {  	_ =	sfence.sel $0xFFFF  }
0xc0: {  	[dreg:$0x0] =	wrdreg $0xFFFFFFFF;
	(pc) =	sbr.abs _section_cstart, $3  }
0xc1: {  	[dreg:$0x1] =	wrdreg $0xFFFFFFFF  }
0xc2: {  	_ =	task.clear_ibuf [dreg:s7], $0x2FFFF;
	_ =	strace $0x9FFFFFFF  }
0xc3: {  	(tm) =	ssettm $0x7FFFFFFF  }
tec
execute0_lowered:
.L_overlay_start_1:
0x0: {  	(tag) =	ssettag $0x1  }
0x1: {  	s0 =	srdreg.scid;
	s7 =	rddreg [dreg:$0x0]  }
0x2: {  	s2 =	rddreg [dreg:$0x1];
	s6 =	sand.u32 $0x1, s0;
	s0 =	stileid.u32  }
0x3: {  	s3 =	rddreg [dreg:$0x2];
	s4 =	simm.s32 $0x0;
	s8 =	smul.u32 $0x500, s0  }
0x4: {  	s13 =	simm.s32 $0x7D;
	s14 =	simm.s32 $0x0;
	s9 =	smul.u32 $0x5000, s6  }
0x5: {  	[smem:$0x7FF] =	sst s4;
	s1 =	sshll.u32 s6, $0x4;
	s11 =	smul.u32 $0xA000, s0  }
0x6: {  	s6 =	ssub.s32 $0x2, s6;
	s31 =	sshll.u32 s0, $0x6;
	s1 =	sor.u32 s0, s1  }
0x7: {  	s29 =	sshrl.u32 s6, $0x1;
	s5 =	smul.u32 $0x500, s1;
	s1 =	rddreg [dreg:$0x3]  }
0x8: {  	_ =	strace $0x80000047;
	s8 =	sadd.s32 s8, s9;
	s30 =	sshrl.u32 s11, $0x2  }
0x9: {  	s9 =	simm.s32 $0x1;
	s11 =	sor.u32 $0x1C01, s31;
	s12 =	sadd.s32 s30, s3  }
0xa: {  	s10 =	sadd.s32 s5, s7;
	s5 =	sadd.s32 $0xDA00, s7;
	s7 =	sadd.s32 s8, s7  }
0xb: {  	s8 =	ssub.s32 s6, s29;
	s12 =	sshrl.u32 s12, $0x3;
	s6 =	sadd.s32 $0x3A00, s10  }
0xc: {  	s7 =	sadd.s32 $0xDC00, s7;
	s8 =	smax.u32 s8, $0x1;
	s10 =	simm.s32 $0x2800  }
.LBB2_1:
0xd: {  	[tilespmem:s4], [sflag:$0x1] =	stream.linear.gather [hbm4b:s6+s4], $0x2800, $0x38;
	[tilespmem:$0x57D0] =	vst v63  }
0xe: {  	_ =	swait.ge [sflag:s9], $0x2800  }
0xf: {  	[sflag:s9] =	ssyncset.done $0x0  }
0x10: {  	[sflag:s9] =	ssyncadd.s32 $0xFFFFD800  }
0x11: {  	[tilespmem:s10], [sflag:$0x1] =	stream.linear.gather [hbm4b:s5+s4], $0x7D0, $0x38;
	[tilespmem:$0x57D0] =	vst v63  }
0x12: {  	_ =	swait.ge [sflag:s9], $0x7D0  }
0x13: {  	[sflag:s9] =	ssyncset.done $0x0  }
0x14: {  	[sflag:s9] =	ssyncadd.s32 $0xFFFFF830  }
0x15: {  	[spmem:s12], [sflag:s11] =	dma.local [hbm:s2], $0x500  }
0x16: {  	_ =	swait.ge [sflag:s9], $0x500  }
0x17: {  	[sflag:s9] =	ssyncset.done $0x0  }
0x18: {  	[sflag:s9] =	ssyncadd.s32 $0xFFFFFB00  }
0x19: {  	s15 =	simm.s32 $0x0;
	[bflag:$0x0] =	sbarrier.arrive $0xFFFF  }
0x1a: {  	[spmem:s3] =	stream.indirect.scatter.add.f32 [tilespmem:s10], [sflag:$0x1], $0x10, s15, s13, $0xb8;
	[tilespmem:$0x57D0] =	vst v63  }
0x1b: {  	_ =	swait.ge [sflag:s9], $0x7D0  }
0x1c: {  	s15 =	simm.s32 $0x200;
	[sflag:s9] =	ssyncset.done $0x0  }
.LBB2_2:
0x1d: {  	s16 =	sshra.s32 s15, $0x2;
	[sflag:s9] =	ssyncadd.s32 $0xFFFFF830;
	p0 =	sne.s32 s15, $0x9E00  }
0x1e: {  	[spmem:s3] =	stream.indirect.scatter.add.f32 [tilespmem:s10], [sflag:$0x1], $0x10, s16, s13, $0xb8;
	[tilespmem:$0x57D0] =	vst v63  }
.Ltmp0:
0x1f: {  	_ = 	snop;
	(pc) =	sbr.rel @p0 .LBB2_2-.Ltmp0, $4  }
0x20: {  	_ = 	snop  }
0x21: {  	s15 =	sadd.s32 $0x200, s15  }
0x22: {  	_ =	swait.ge [sflag:s9], $0x7D0  }
0x23: {  	[sflag:s9] =	ssyncset.done $0x0  }
0x24: {  	s14 =	sadd.s32 $0x1, s14  }
0x25: {  	[sflag:s9] =	ssyncadd.s32 $0xFFFFF830;
	p0 =	sne.s32 s14, s8  }
.Ltmp1:
0x26: {  	[bflag:$0x0] =	sbarrier.arrive $0xFFFF;
	(pc) =	sbr.rel @p0 .LBB2_1-.Ltmp1, $4  }
0x27: {  	[hbm:s7], [sflag:s11] =	dma.local [spmem:s12], $0x500  }
0x28: {  	_ =	swait.ge [sflag:s9], $0x500  }
0x29: {  	[sflag:s9] =	ssyncset.done $0x0  }
0x2a: {  	[sflag:s9] =	ssyncadd.s32 $0xFFFFFB00  }
0x2b: {  	_ =	sfence.sel $0x180000  }
0x2c: {  	[bflag:$0x0] =	sbarrier.arrive $0xFFFF  }
0x2d: {  	p0 =	sne.s32 s0, $0x0;
	_ =	strace $0x90000047  }
0x2e: {  	s0 =	sadd.s32 @!p0 $0x100000, s1;
	[bflag:$0x2] =	sbarrier.arrive $0xFFFF  }
0x2f: {  	[sflag:s0] =	ssyncadd.tile.s32 @!p0 $0x1;
	_ =	shalt  }
.Lfunc_end2:
_tile_overlayer_lowered:
.L_overlay_start_2:
0x30: {  	(tag) =	ssettag $0x2  }
0x31: {  	s0 =	rddreg [dreg:$0x0];
	s2 =	stileid.u32  }
0x32: {  	s1 =	rddreg [dreg:$0x1];
	p0 =	sne.s32 s2, $0x0  }
0x33: {  	s3 =	rddreg [dreg:$0x2];
	[bflag:$0x3] =	sbarrier.arrive $0xFFFF;
	s2 =	simm.s32 @!p0 $0x1C01  }
0x34: {  	[timem:s3], [sflag:s2] =	dma.local @!p0 [hbm:s0], s1  }
0x35: {  	s0 =	simm.s32 @!p0 $0x1  }
0x36: {  	_ =	swait.ge @!p0 [sflag:s0], s1  }
0x37: {  	s1 =	ssub.s32 @!p0 $0x0, s1;
	[sflag:s0] =	ssyncset.done @!p0 $0x0  }
0x38: {  	[sflag:s0] =	ssyncadd.s32 @!p0 s1  }
0x39: {  	[bflag:$0x3] =	sbarrier.arrive $0xFFFF  }
0x3a: {  	_ =	shalt  }

// kernel: kernel.13.cloned.1.call-start
scs
__scs_entry_jumppad:
0x0: {  	(pc) =	sbr.rel $0x88, $3  }
0x1: {  	(tag) =	ssettag $0x0;
	lr =	simm.s32 $0x1  }
0x2: {  	[smem:$0x3F93] =	sst lr;
	_ =	strace $0xD0000000  }
0x3: {  	_ = 	snop  }
0x4: {  	_ = 	snop  }
0x5: {  	_ = 	snop  }
0x6: {  	_ = 	snop  }
0x7: {  	_ = 	snop  }
__scs_overlays_trampoline_lowered:
0x8: {  	[smem:$0x3FA2] =	sst s0  }
0x9: {  	[smem:$0x3FA3] =	sst s1  }
0xa: {  	[smem:$0x3FA4] =	sst s2  }
0xb: {  	[smem:$0x3FA5] =	sst s3  }
0xc: {  	[smem:$0x3FA6] =	sst s4  }
0xd: {  	[smem:$0x3FA7] =	sst s5  }
0xe: {  	[smem:$0x3FA8] =	sst s6  }
0xf: {  	[smem:$0x3FA9] =	sst s7  }
0x10: {  	[smem:$0x3FAA] =	sst s8  }
0x11: {  	[smem:$0x3FAB] =	sst s9;
	s0 =	simm.s32 @!p0 $0x0  }
0x12: {  	s1 =	sld [smem:$0x3F91];
	s0 =	simm.s32 @p0 $0x1  }
0x13: {  	[smem:$0x3FAC] =	sst s0;
	s0 =	simm.s32 @!p1 $0x0  }
0x14: {  	s2 =	sld [smem:$0x3F90];
	s0 =	simm.s32 @p1 $0x1  }
0x15: {  	[smem:$0x3FAD] =	sst s0;
	s0 =	simm.s32 @!p2 $0x0  }
0x16: {  	s3 =	sld [smem:$0x3FDB];
	s0 =	simm.s32 @p2 $0x1  }
0x17: {  	s4 =	simm.s32 $0x1BF5;
	[smem:$0x3FAF] =	sst s0  }
0x18: {  	s0 =	sld [smem:$0x3F92];
	_ =	swait.ge [sflag:s4], $0x0  }
0x19: {  	s7 =	sld [smem:$0x3F93]  }
0x1a: {  	s8 =	sadd.s32 $0xFFFFE003, lr  }
0x1b: {  	s9 =	sadd.s32 $0xFFFFFEF7, lr;
	s5 =	simm.s32 $0xFFFFFFFF;
	p2 =	slt.u32 s8, $0xFFFFF086  }
0x1c: {  	p1 =	slt.u32 s9, $0xF7A;
	s5 =	simm.s32 @!p2 $0x0  }
0x1d: {  	s5 =	simm.s32 @p1 $0x1;
	p0 =	seq.s32 s7, s2  }
0x1e: {  	s7 =	smul.u32 @!p0 $0xF7A, s2;
	p2 =	seq.s32 @!p0 s5, $0x0  }
0x1f: {  	s9 =	smul.u32 $0xF7A, s1;
	s8 =	simm.s32 @!p0 $0x1BF5;
	p2 =	por !p2, p0  }
0x20: {  	[sflag:s8] =	ssyncset.s32 @!p0 $0xFFFFF086;
	s6 =	sadd.s32 @!p0 s3, s7;
	s7 =	simm.s32 @!p0 $0x108  }
0x21: {  	s3 =	sadd.s32 s3, s9;
	s6 =	sadd.s32 @!p0 $0x88, s6;
	s7 =	simm.s32 @p2 $0x1082  }
0x22: {  	[simem:s7], [sflag:s8] =	dma.local @!p0 [hbm:s6], $0xF7A  }
0x23: {  	s9 =	sor.u32 $0xD0000000, s2;
	s6 =	simm.s32 $0x108;
	_ =	swait.ge @!p0 [sflag:s8], $0x0  }
0x24: {  	s3 =	sadd.s32 $0x88, s3;
	s6 =	simm.s32 @!p1 $0x1082;
	[sflag:s4] =	ssyncset.s32 $0xFFFFF086  }
0x25: {  	[simem:s6], [sflag:s4] =	dma.local [hbm:s3], $0xF7A  }
0x26: {  	[smem:$0x3F93] =	sst s1;
	(tag) =	ssettag s2;
	_ =	strace s9  }
0x27: {  	s1 =	sld [smem:$0x3FA3]  }
0x28: {  	s2 =	sld [smem:$0x3FA4]  }
0x29: {  	s4 =	sld [smem:$0x3FA6]  }
0x2a: {  	p0 =	seq.s32 s5, $0x0;
	s5 =	sld [smem:$0x3FA7]  }
0x2b: {  	s6 =	sld [smem:$0x3FA8]  }
0x2c: {  	s7 =	sld [smem:$0x3FA9]  }
0x2d: {  	s3 =	simm.s32 $0x108;
	s8 =	sld [smem:$0x3FAA]  }
0x2e: {  	s3 =	simm.s32 @!p0 $0x1082;
	s9 =	sld [smem:$0x3FAB]  }
0x2f: {  	lr =	sadd.s32 s0, s3;
	s0 =	sld [smem:$0x3FA2]  }
0x30: {  	s3 =	sld [smem:$0x3FA5]  }
0x31: {  	[smem:$0x3FAE] =	sst s10  }
0x32: {  	s10 =	sld [smem:$0x3FAC];
	_ =	sdelay $0x3  }
0x33: {  	p0 =	seq.s32 s10, $0x1;
	s10 =	sld [smem:$0x3FAE];
	_ =	sdelay $0x3  }
0x34: {  	[smem:$0x3FAE] =	sst s10  }
0x35: {  	s10 =	sld [smem:$0x3FAD];
	_ =	sdelay $0x3  }
0x36: {  	p1 =	seq.s32 s10, $0x1;
	s10 =	sld [smem:$0x3FAE];
	_ =	sdelay $0x3  }
0x37: {  	[smem:$0x3FAE] =	sst s10  }
0x38: {  	s10 =	sld [smem:$0x3FAF]  }
0x39: {  	_ = 	snop;
	(pc) =	sbr.ind lr, $3  }
0x3a: {  	_ = 	snop  }
0x3b: {  	_ = 	snop  }
0x3c: {  	p2 =	seq.s32 s10, $0x1;
	s10 =	sld [smem:$0x3FAE]  }
0x3d: {  	_ =	shalt  }
0x3e: {  	_ =	shalt  }
0x3f: {  	_ =	shalt  }
0x40: {  	_ =	shalt  }
0x41: {  	_ =	shalt  }
0x42: {  	_ =	shalt  }
0x43: {  	_ =	shalt  }
0x44: {  	_ =	shalt  }
0x45: {  	_ =	shalt  }
0x46: {  	_ =	shalt  }
0x47: {  	_ =	shalt  }
0x48: {  	_ =	shalt  }
0x49: {  	_ =	shalt  }
0x4a: {  	_ =	shalt  }
0x4b: {  	_ =	shalt  }
0x4c: {  	_ =	shalt  }
0x4d: {  	_ =	shalt  }
0x4e: {  	_ =	shalt  }
0x4f: {  	_ =	shalt  }
0x50: {  	_ =	shalt  }
0x51: {  	_ =	shalt  }
0x52: {  	_ =	shalt  }
0x53: {  	_ =	shalt  }
0x54: {  	_ =	shalt  }
0x55: {  	_ =	shalt  }
0x56: {  	_ =	shalt  }
0x57: {  	_ =	shalt  }
0x58: {  	_ =	shalt  }
0x59: {  	_ =	shalt  }
0x5a: {  	_ =	shalt  }
0x5b: {  	_ =	shalt  }
0x5c: {  	_ =	shalt  }
0x5d: {  	_ =	shalt  }
0x5e: {  	_ =	shalt  }
0x5f: {  	_ =	shalt  }
0x60: {  	_ =	shalt  }
0x61: {  	_ =	shalt  }
0x62: {  	_ =	shalt  }
0x63: {  	_ =	shalt  }
0x64: {  	_ =	shalt  }
0x65: {  	_ =	shalt  }
0x66: {  	_ =	shalt  }
0x67: {  	_ =	shalt  }
0x68: {  	_ =	shalt  }
0x69: {  	_ =	shalt  }
0x6a: {  	_ =	shalt  }
0x6b: {  	_ =	shalt  }
0x6c: {  	_ =	shalt  }
0x6d: {  	_ =	shalt  }
0x6e: {  	_ =	shalt  }
0x6f: {  	_ =	shalt  }
0x70: {  	_ =	shalt  }
0x71: {  	_ =	shalt  }
0x72: {  	_ =	shalt  }
0x73: {  	_ =	shalt  }
0x74: {  	_ =	shalt  }
0x75: {  	_ =	shalt  }
0x76: {  	_ =	shalt  }
0x77: {  	_ =	shalt  }
0x78: {  	_ =	shalt  }
0x79: {  	_ =	shalt  }
0x7a: {  	_ =	shalt  }
0x7b: {  	_ =	shalt  }
0x7c: {  	_ =	shalt  }
0x7d: {  	_ =	shalt  }
0x7e: {  	_ =	shalt  }
0x7f: {  	_ =	shalt  }
0x80: {  	_ =	shalt  }
0x81: {  	_ =	shalt  }
0x82: {  	_ =	shalt  }
0x83: {  	_ =	shalt  }
0x84: {  	_ =	shalt  }
0x85: {  	_ =	shalt  }
0x86: {  	_ =	shalt  }
0x87: {  	_ =	shalt  }
.Lfunc_end0:
.L_simem_size_0:
called_computation.1_lowered:
.L_overlay_start_0:
0x88: {  	s2 =	sld [smem:$0x3FD9]  }
0x89: {  	s3 =	sld [smem:$0x3FFE];
	_ =	sdelay $0x1  }
0x8a: {  	s1 =	srdreg.scid  }
0x8b: {  	s0 =	sand.u32 $0x1, s1  }
0x8c: {  	s16 =	sshll.u32 s0, $0xA;
	s2 =	sadd.s32 s3, s2  }
0x8d: {  	s2 =	sadd.s32 s2, s16  }
0x8e: {  	[smem:$0x3FBA] =	sst s2  }
0x8f: {  	_ = 	snop  }
0x90: {  	(tm) =	ssettm $0x1  }
0x91: {  	s17 =	sld [smem:$0x3FFB];
	_ =	sdelay $0x3  }
0x92: {  	_ =	strace s17  }
0x93: {  	s2 =	sld [smem:$0x3FFC];
	_ =	sdelay $0x3  }
0x94: {  	_ =	strace s2  }
0x95: {  	s2 =	sld [smem:$0x3FFD];
	_ =	sdelay $0x3  }
0x96: {  	_ =	strace s2  }
0x97: {  	_ =	strace $0x8FFFFFFF  }
0x98: {  	s18 =	sld [smem:$0x3FDB];
	_ =	sdelay $0x1  }
0x99: {  	s19 =	simm.s32 $_scs_section_size  }
0x9a: {  	s4 =	simm.s32 $_size__tile_overlayer_lowered;
	s5 =	simm.s32 $_tile_overlayer_lowered  }
0x9b: {  	s22 =	simm.s32 $0x1BFF;
	s21 =	sshll.u32 s5, $0x1;
	s2 =	sadd.s32 s19, s18  }
0x9c: {  	s6 =	simm.s32 $0x0;
	s20 =	sshll.u32 s4, $0x1;
	s4 =	sadd.s32 s21, s2  }
0x9d: {  	[timem:s6], [sflag:s22] =	dma.local [hbm:s4], s20  }
0x9e: {  	_ =	swait.ge [sflag:s22], s20  }
0x9f: {  	s3 =	ssub.s32 $0x0, s20;
	[sflag:s22] =	ssyncset.done $0x0  }
0xa0: {  	[sflag:s22] =	ssyncadd.s32 s3;
	_ =	sdelay $0x1  }
0xa1: {  	s23 =	simm.s32 $0x1B8B  }
0xa2: {  	_ =	swait.ge [sflag:s23], $0x1  }
0xa3: {  	[sflag:s23] =	ssyncset.done $0x0  }
0xa4: {  	s25 =	simm.s32 $0x1B8E;
	s24 =	sld [smem:$0x3FFE];
	[sflag:s23] =	ssyncadd.s32 $0xFFFFFFFF  }
0xa5: {  	s26 =	simm.s32 $execute0_lowered;
	[smem:$0x3FD2] =	sst s25  }
0xa6: {  	s4 =	sshll.u32 s26, $0x1;
	_ =	strace $0x80000049;
	[dreg:$0x1] =	wrdreg $0xFFFFFFFF  }
0xa7: {  	s28 =	simm.s32 $_size_execute0_lowered;
	s2 =	sadd.s32 s2, s4;
	[dreg:$0x0] =	wrdreg $0x0  }
0xa8: {  	s4 =	sshll.u32 s28, $0x1;
	[dreg:$0x2] =	wrdreg s2  }
0xa9: {  	[dreg:$0x3] =	wrdreg s4  }
0xaa: {  	[dreg:$0x4] =	wrdreg $0xC0  }
0xab: {  	_ =	task [dreg:s6], $0x5FFFF  }
0xac: {  	[dreg:$0x1] =	wrdreg $0xFFFFFFFF  }
0xad: {  	[dreg:$0x0] =	wrdreg $0x60  }
0xae: {  	[dreg:$0x2] =	wrdreg s24  }
0xaf: {  	[dreg:$0x3] =	wrdreg $0x8E800  }
0xb0: {  	[dreg:$0x4] =	wrdreg $0x9  }
0xb1: {  	_ =	task.clear_ibuf [dreg:s6], $0x5FFFF;
	_ =	strace $0x90000049  }
0xb2: {  	s29 =	simm.s32 $0x9;
	_ =	strace $0x8000004B  }
0xb3: {  	_ =	swait.ge [sflag:s29], $0x1  }
0xb4: {  	[sflag:s29] =	ssyncadd.s32 $0xFFFFFFFF  }
0xb5: {  	_ =	strace $0x9000004B  }
0xb6: {  	_ =	sfence  }
0xb7: {  	s30 =	sld [smem:$0x0];
	_ =	sdelay $0x2  }
0xb8: {  	s31 =	sshll.u32 s1, $0xD;
	s1 =	sshrl.u32 s1, $0x2  }
0xb9: {  	s3 =	sand.u32 $0x4000, s31;
	s1 =	sadd.s32 s1, s30  }
0xba: {  	s0 =	sor.u32 s3, s0;
	s1 =	sshll.u32 s1, $0x11  }
0xbb: {  	s0 =	sor.u32 s1, s0  }
0xbc: {  	s0 =	sadd.s32 $0x8F2B, s0  }
0xbd: {  	[sflag:s0] =	ssyncadd.remote.s32 $0x1  }
0xbe: {  	_ =	sfence.sel $0xFFFF  }
0xbf: {  	[dreg:$0x0] =	wrdreg $0xFFFFFFFF;
	(pc) =	sbr.abs _section_cstart, $3  }
0xc0: {  	[dreg:$0x1] =	wrdreg $0xFFFFFFFF  }
0xc1: {  	_ =	task.clear_ibuf [dreg:s6], $0x2FFFF;
	_ =	strace $0x9FFFFFFF  }
0xc2: {  	(tm) =	ssettm $0x7FFFFFFF  }
0xc3: {  	_ =	shalt  }
tec
execute0_lowered:
.L_overlay_start_1:
0x0: {  	(tag) =	ssettag $0x1  }
0x1: {  	s0 =	srdreg.scid;
	s6 =	rddreg [dreg:$0x0]  }
0x2: {  	s2 =	rddreg [dreg:$0x1];
	s3 =	simm.s32 $0x0;
	s14 =	simm.s32 $0x7D  }
0x3: {  	s15 =	simm.s32 $0x5000;
	s5 =	sand.u32 $0x1, s0;
	s0 =	stileid.u32  }
0x4: {  	s16 =	simm.s32 $0x1;
	s17 =	simm.s32 $0x0;
	s7 =	smul.u32 $0x2800, s0  }
0x5: {  	[smem:$0x7FF] =	sst s3;
	s1 =	sshll.u32 s5, $0x4;
	s8 =	smul.u32 $0x28000, s5  }
0x6: {  	s10 =	ssub.s32 $0x2, s5;
	s11 =	smul.u32 $0x50000, s0;
	s5 =	sadd.s32 $0xDA00, s6  }
0x7: {  	s31 =	sshll.u32 s0, $0x6;
	s4 =	sor.u32 s0, s1;
	s1 =	rddreg [dreg:$0x2]  }
0x8: {  	_ =	strace $0x8000004A;
	s29 =	sshrl.u32 s10, $0x1;
	s4 =	smul.u32 $0x500, s4  }
0x9: {  	s7 =	sadd.s32 s7, s8;
	s10 =	ssub.s32 s10, s29;
	s30 =	sshrl.u32 s11, $0x2  }
0xa: {  	s11 =	simm.s32 $0x2800;
	s12 =	sadd.s32 s7, s6;
	s13 =	sadd.s32 s30, s2  }
0xb: {  	s9 =	sadd.s32 s4, s6;
	s4 =	sadd.s32 $0x71C00, s6;
	s8 =	sadd.s32 $0x98E00, s12  }
0xc: {  	s12 =	sor.u32 $0x1C02, s31;
	s13 =	sshrl.u32 s13, $0x3;
	s6 =	sadd.s32 $0x17C00, s9  }
0xd: {  	s7 =	sadd.s32 $0x3A00, s9;
	s9 =	smax.u32 s10, $0x1;
	s10 =	simm.s32 $0x2  }
.LBB2_1:
0xe: {  	[tilespmem:s3], [sflag:$0x2] =	stream.linear.gather [hbm4b:s6+s3], $0x2800, $0x38;
	[tilespmem:$0x1CE80] =	vst v63  }
0xf: {  	_ =	swait.ge [sflag:s10], $0x2800  }
0x10: {  	[sflag:s10] =	ssyncset.done $0x0  }
0x11: {  	[sflag:s10] =	ssyncadd.s32 $0xFFFFD800  }
0x12: {  	[tilespmem:s11], [sflag:$0x2] =	stream.linear.gather [hbm4b:s7+s3], $0x2800, $0x38;
	[tilespmem:$0x1CE80] =	vst v63  }
0x13: {  	_ =	swait.ge [sflag:s10], $0x2800  }
0x14: {  	[sflag:s10] =	ssyncset.done $0x0  }
0x15: {  	[sflag:s10] =	ssyncadd.s32 $0xFFFFD800  }
0x16: {  	[spmem:s13], [sflag:s12] =	dma.local [hbm:s5], $0x2800  }
0x17: {  	_ =	swait.ge [sflag:s10], $0x2800  }
0x18: {  	[sflag:s10] =	ssyncset.done $0x0  }
0x19: {  	[sflag:s10] =	ssyncadd.s32 $0xFFFFD800  }
0x1a: {  	s18 =	simm.s32 $0x0;
	[bflag:$0x0] =	sbarrier.arrive $0xFFFF  }
0x1b: {  	[tilespmem:s15], [sflag:$0x1] =	stream.indirect.gather [hbm4b:s4+s14], $0x80, s18, s14, $0xb8;
	[tilespmem:$0x1CE80] =	vst v63  }
0x1c: {  	_ =	swait.ge [sflag:s16], $0x3E80  }
0x1d: {  	[sflag:s16] =	ssyncset.done $0x0  }
0x1e: {  	s31 =	simm.s32 $0x2800;
	[sflag:s16] =	ssyncadd.s32 $0xFFFFC180  }
0x1f: {  	[spmem:s2] =	stream.indirect.scatter.add.f32 [tilespmem:s15], [sflag:$0x2], $0x80, s31, s14, $0xb8;
	[tilespmem:$0x1CE80] =	vst v63  }
0x20: {  	_ =	swait.ge [sflag:s10], $0x3E80  }
0x21: {  	s19 =	simm.s32 $0x400;
	s18 =	simm.s32 $0x200;
	[sflag:s10] =	ssyncset.done $0x0  }
.LBB2_2:
0x22: {  	s20 =	sshra.s32 s18, $0x2  }
0x23: {  	[sflag:s10] =	ssyncadd.s32 $0xFFFFC180;
	s18 =	smov.u32 s19;
	s21 =	sadd.s32 $0x200, s19  }
0x24: {  	[tilespmem:s15], [sflag:$0x1] =	stream.indirect.gather [hbm4b:s4+s14], $0x80, s20, s14, $0xb8;
	[tilespmem:$0x1CE80] =	vst v63  }
0x25: {  	p0 =	sne.s32 s19, $0x9E00;
	_ =	swait.ge [sflag:s16], $0x3E80  }
.Ltmp0:
0x26: {  	[sflag:s16] =	ssyncset.done $0x0;
	(pc) =	sbr.rel @p0 .LBB2_2-.Ltmp0, $4  }
0x27: {  	s19 =	sadd.s32 $0x2800, s20;
	[sflag:s16] =	ssyncadd.s32 $0xFFFFC180  }
0x28: {  	[spmem:s2] =	stream.indirect.scatter.add.f32 [tilespmem:s15], [sflag:$0x2], $0x80, s19, s14, $0xb8;
	[tilespmem:$0x1CE80] =	vst v63  }
0x29: {  	_ =	swait.ge [sflag:s10], $0x3E80  }
0x2a: {  	s19 =	smov.u32 s21;
	[sflag:s10] =	ssyncset.done $0x0  }
0x2b: {  	s18 =	sshra.s32 s18, $0x2;
	[sflag:s10] =	ssyncadd.s32 $0xFFFFC180  }
0x2c: {  	[tilespmem:s15], [sflag:$0x1] =	stream.indirect.gather [hbm4b:s4+s14], $0x80, s18, s14, $0xb8;
	[tilespmem:$0x1CE80] =	vst v63  }
0x2d: {  	_ =	swait.ge [sflag:s16], $0x3E80  }
0x2e: {  	[sflag:s16] =	ssyncset.done $0x0  }
0x2f: {  	s18 =	sadd.s32 $0x2800, s18;
	[sflag:s16] =	ssyncadd.s32 $0xFFFFC180  }
0x30: {  	[spmem:s2] =	stream.indirect.scatter.add.f32 [tilespmem:s15], [sflag:$0x2], $0x80, s18, s14, $0xb8;
	[tilespmem:$0x1CE80] =	vst v63  }
0x31: {  	_ =	swait.ge [sflag:s10], $0x3E80  }
0x32: {  	s17 =	sadd.s32 $0x1, s17;
	[sflag:s10] =	ssyncset.done $0x0  }
0x33: {  	p0 =	sne.s32 s17, s9;
	[sflag:s10] =	ssyncadd.s32 $0xFFFFC180  }
.Ltmp1:
0x34: {  	[bflag:$0x0] =	sbarrier.arrive $0xFFFF;
	(pc) =	sbr.rel @p0 .LBB2_1-.Ltmp1, $4  }
0x35: {  	[hbm:s8], [sflag:s12] =	dma.local [spmem:s13], $0x2800  }
0x36: {  	_ =	swait.ge [sflag:s10], $0x2800  }
0x37: {  	[sflag:s10] =	ssyncset.done $0x0  }
0x38: {  	[sflag:s10] =	ssyncadd.s32 $0xFFFFD800  }
0x39: {  	_ =	sfence.sel $0x180000  }
0x3a: {  	[bflag:$0x0] =	sbarrier.arrive $0xFFFF  }
0x3b: {  	p0 =	sne.s32 s0, $0x0;
	_ =	strace $0x9000004A  }
0x3c: {  	s0 =	sadd.s32 @!p0 $0x100000, s1;
	[bflag:$0x2] =	sbarrier.arrive $0xFFFF  }
0x3d: {  	[sflag:s0] =	ssyncadd.tile.s32 @!p0 $0x1;
	_ =	shalt  }
.Lfunc_end2:
_tile_overlayer_lowered:
.L_overlay_start_2:
0x3e: {  	(tag) =	ssettag $0x2  }
0x3f: {  	s0 =	rddreg [dreg:$0x0];
	s2 =	stileid.u32  }
0x40: {  	s1 =	rddreg [dreg:$0x1];
	p0 =	sne.s32 s2, $0x0  }
0x41: {  	s3 =	rddreg [dreg:$0x2];
	[bflag:$0x3] =	sbarrier.arrive $0xFFFF;
	s2 =	simm.s32 @!p0 $0x1C02  }
0x42: {  	[timem:s3], [sflag:s2] =	dma.local @!p0 [hbm:s0], s1  }
0x43: {  	s0 =	simm.s32 @!p0 $0x2  }
0x44: {  	_ =	swait.ge @!p0 [sflag:s0], s1  }
0x45: {  	s1 =	ssub.s32 @!p0 $0x0, s1;
	[sflag:s0] =	ssyncset.done @!p0 $0x0  }
0x46: {  	[sflag:s0] =	ssyncadd.s32 @!p0 s1  }
0x47: {  	[bflag:$0x3] =	sbarrier.arrive $0xFFFF  }
0x48: {  	_ =	shalt  }

// kernel: kernel.16.cloned.1.call-start
scs
__scs_entry_jumppad:
0x0: {  	(pc) =	sbr.rel $0x88, $3  }
0x1: {  	(tag) =	ssettag $0x0;
	lr =	simm.s32 $0x1  }
0x2: {  	[smem:$0x3F93] =	sst lr;
	_ =	strace $0xD0000000  }
0x3: {  	_ = 	snop  }
0x4: {  	_ = 	snop  }
0x5: {  	_ = 	snop  }
0x6: {  	_ = 	snop  }
0x7: {  	_ = 	snop  }
__scs_overlays_trampoline_lowered:
0x8: {  	[smem:$0x3FA2] =	sst s0  }
0x9: {  	[smem:$0x3FA3] =	sst s1  }
0xa: {  	[smem:$0x3FA4] =	sst s2  }
0xb: {  	[smem:$0x3FA5] =	sst s3  }
0xc: {  	[smem:$0x3FA6] =	sst s4  }
0xd: {  	[smem:$0x3FA7] =	sst s5  }
0xe: {  	[smem:$0x3FA8] =	sst s6  }
0xf: {  	[smem:$0x3FA9] =	sst s7  }
0x10: {  	[smem:$0x3FAA] =	sst s8  }
0x11: {  	[smem:$0x3FAB] =	sst s9;
	s0 =	simm.s32 @!p0 $0x0  }
0x12: {  	s1 =	sld [smem:$0x3F91];
	s0 =	simm.s32 @p0 $0x1  }
0x13: {  	[smem:$0x3FAC] =	sst s0;
	s0 =	simm.s32 @!p1 $0x0  }
0x14: {  	s2 =	sld [smem:$0x3F90];
	s0 =	simm.s32 @p1 $0x1  }
0x15: {  	[smem:$0x3FAD] =	sst s0;
	s0 =	simm.s32 @!p2 $0x0  }
0x16: {  	s3 =	sld [smem:$0x3FDB];
	s0 =	simm.s32 @p2 $0x1  }
0x17: {  	s4 =	simm.s32 $0x1BF5;
	[smem:$0x3FAF] =	sst s0  }
0x18: {  	s0 =	sld [smem:$0x3F92];
	_ =	swait.ge [sflag:s4], $0x0  }
0x19: {  	s7 =	sld [smem:$0x3F93]  }
0x1a: {  	s8 =	sadd.s32 $0xFFFFE003, lr  }
0x1b: {  	s9 =	sadd.s32 $0xFFFFFEF7, lr;
	s5 =	simm.s32 $0xFFFFFFFF;
	p2 =	slt.u32 s8, $0xFFFFF086  }
0x1c: {  	p1 =	slt.u32 s9, $0xF7A;
	s5 =	simm.s32 @!p2 $0x0  }
0x1d: {  	s5 =	simm.s32 @p1 $0x1;
	p0 =	seq.s32 s7, s2  }
0x1e: {  	s7 =	smul.u32 @!p0 $0xF7A, s2;
	p2 =	seq.s32 @!p0 s5, $0x0  }
0x1f: {  	s9 =	smul.u32 $0xF7A, s1;
	s8 =	simm.s32 @!p0 $0x1BF5;
	p2 =	por !p2, p0  }
0x20: {  	[sflag:s8] =	ssyncset.s32 @!p0 $0xFFFFF086;
	s6 =	sadd.s32 @!p0 s3, s7;
	s7 =	simm.s32 @!p0 $0x108  }
0x21: {  	s3 =	sadd.s32 s3, s9;
	s6 =	sadd.s32 @!p0 $0x88, s6;
	s7 =	simm.s32 @p2 $0x1082  }
0x22: {  	[simem:s7], [sflag:s8] =	dma.local @!p0 [hbm:s6], $0xF7A  }
0x23: {  	s9 =	sor.u32 $0xD0000000, s2;
	s6 =	simm.s32 $0x108;
	_ =	swait.ge @!p0 [sflag:s8], $0x0  }
0x24: {  	s3 =	sadd.s32 $0x88, s3;
	s6 =	simm.s32 @!p1 $0x1082;
	[sflag:s4] =	ssyncset.s32 $0xFFFFF086  }
0x25: {  	[simem:s6], [sflag:s4] =	dma.local [hbm:s3], $0xF7A  }
0x26: {  	[smem:$0x3F93] =	sst s1;
	(tag) =	ssettag s2;
	_ =	strace s9  }
0x27: {  	s1 =	sld [smem:$0x3FA3]  }
0x28: {  	s2 =	sld [smem:$0x3FA4]  }
0x29: {  	s4 =	sld [smem:$0x3FA6]  }
0x2a: {  	p0 =	seq.s32 s5, $0x0;
	s5 =	sld [smem:$0x3FA7]  }
0x2b: {  	s6 =	sld [smem:$0x3FA8]  }
0x2c: {  	s7 =	sld [smem:$0x3FA9]  }
0x2d: {  	s3 =	simm.s32 $0x108;
	s8 =	sld [smem:$0x3FAA]  }
0x2e: {  	s3 =	simm.s32 @!p0 $0x1082;
	s9 =	sld [smem:$0x3FAB]  }
0x2f: {  	lr =	sadd.s32 s0, s3;
	s0 =	sld [smem:$0x3FA2]  }
0x30: {  	s3 =	sld [smem:$0x3FA5]  }
0x31: {  	[smem:$0x3FAE] =	sst s10  }
0x32: {  	s10 =	sld [smem:$0x3FAC];
	_ =	sdelay $0x3  }
0x33: {  	p0 =	seq.s32 s10, $0x1;
	s10 =	sld [smem:$0x3FAE];
	_ =	sdelay $0x3  }
0x34: {  	[smem:$0x3FAE] =	sst s10  }
0x35: {  	s10 =	sld [smem:$0x3FAD];
	_ =	sdelay $0x3  }
0x36: {  	p1 =	seq.s32 s10, $0x1;
	s10 =	sld [smem:$0x3FAE];
	_ =	sdelay $0x3  }
0x37: {  	[smem:$0x3FAE] =	sst s10  }
0x38: {  	s10 =	sld [smem:$0x3FAF]  }
0x39: {  	_ = 	snop;
	(pc) =	sbr.ind lr, $3  }
0x3a: {  	_ = 	snop  }
0x3b: {  	_ = 	snop  }
0x3c: {  	p2 =	seq.s32 s10, $0x1;
	s10 =	sld [smem:$0x3FAE]  }
0x3d: {  	_ =	shalt  }
0x3e: {  	_ =	shalt  }
0x3f: {  	_ =	shalt  }
0x40: {  	_ =	shalt  }
0x41: {  	_ =	shalt  }
0x42: {  	_ =	shalt  }
0x43: {  	_ =	shalt  }
0x44: {  	_ =	shalt  }
0x45: {  	_ =	shalt  }
0x46: {  	_ =	shalt  }
0x47: {  	_ =	shalt  }
0x48: {  	_ =	shalt  }
0x49: {  	_ =	shalt  }
0x4a: {  	_ =	shalt  }
0x4b: {  	_ =	shalt  }
0x4c: {  	_ =	shalt  }
0x4d: {  	_ =	shalt  }
0x4e: {  	_ =	shalt  }
0x4f: {  	_ =	shalt  }
0x50: {  	_ =	shalt  }
0x51: {  	_ =	shalt  }
0x52: {  	_ =	shalt  }
0x53: {  	_ =	shalt  }
0x54: {  	_ =	shalt  }
0x55: {  	_ =	shalt  }
0x56: {  	_ =	shalt  }
0x57: {  	_ =	shalt  }
0x58: {  	_ =	shalt  }
0x59: {  	_ =	shalt  }
0x5a: {  	_ =	shalt  }
0x5b: {  	_ =	shalt  }
0x5c: {  	_ =	shalt  }
0x5d: {  	_ =	shalt  }
0x5e: {  	_ =	shalt  }
0x5f: {  	_ =	shalt  }
0x60: {  	_ =	shalt  }
0x61: {  	_ =	shalt  }
0x62: {  	_ =	shalt  }
0x63: {  	_ =	shalt  }
0x64: {  	_ =	shalt  }
0x65: {  	_ =	shalt  }
0x66: {  	_ =	shalt  }
0x67: {  	_ =	shalt  }
0x68: {  	_ =	shalt  }
0x69: {  	_ =	shalt  }
0x6a: {  	_ =	shalt  }
0x6b: {  	_ =	shalt  }
0x6c: {  	_ =	shalt  }
0x6d: {  	_ =	shalt  }
0x6e: {  	_ =	shalt  }
0x6f: {  	_ =	shalt  }
0x70: {  	_ =	shalt  }
0x71: {  	_ =	shalt  }
0x72: {  	_ =	shalt  }
0x73: {  	_ =	shalt  }
0x74: {  	_ =	shalt  }
0x75: {  	_ =	shalt  }
0x76: {  	_ =	shalt  }
0x77: {  	_ =	shalt  }
0x78: {  	_ =	shalt  }
0x79: {  	_ =	shalt  }
0x7a: {  	_ =	shalt  }
0x7b: {  	_ =	shalt  }
0x7c: {  	_ =	shalt  }
0x7d: {  	_ =	shalt  }
0x7e: {  	_ =	shalt  }
0x7f: {  	_ =	shalt  }
0x80: {  	_ =	shalt  }
0x81: {  	_ =	shalt  }
0x82: {  	_ =	shalt  }
0x83: {  	_ =	shalt  }
0x84: {  	_ =	shalt  }
0x85: {  	_ =	shalt  }
0x86: {  	_ =	shalt  }
0x87: {  	_ =	shalt  }
.Lfunc_end0:
.L_simem_size_0:
called_computation.2_lowered:
.L_overlay_start_0:
0x88: {  	s2 =	sld [smem:$0x3FD9]  }
0x89: {  	s3 =	sld [smem:$0x3FFE];
	_ =	sdelay $0x1  }
0x8a: {  	s1 =	srdreg.scid  }
0x8b: {  	s0 =	sand.u32 $0x1, s1  }
0x8c: {  	s16 =	sshll.u32 s0, $0xA;
	s2 =	sadd.s32 s3, s2  }
0x8d: {  	s2 =	sadd.s32 s2, s16  }
0x8e: {  	[smem:$0x3FBA] =	sst s2  }
0x8f: {  	_ = 	snop  }
0x90: {  	(tm) =	ssettm $0x1  }
0x91: {  	s17 =	sld [smem:$0x3FFB];
	_ =	sdelay $0x3  }
0x92: {  	_ =	strace s17  }
0x93: {  	s2 =	sld [smem:$0x3FFC];
	_ =	sdelay $0x3  }
0x94: {  	_ =	strace s2  }
0x95: {  	s2 =	sld [smem:$0x3FFD];
	_ =	sdelay $0x3  }
0x96: {  	_ =	strace s2  }
0x97: {  	_ =	strace $0x8FFFFFFF  }
0x98: {  	s18 =	sld [smem:$0x3FDB];
	_ =	sdelay $0x1  }
0x99: {  	s19 =	simm.s32 $_scs_section_size  }
0x9a: {  	s4 =	simm.s32 $_size__tile_overlayer_lowered;
	s5 =	simm.s32 $_tile_overlayer_lowered  }
0x9b: {  	s22 =	simm.s32 $0x1BFF;
	s21 =	sshll.u32 s5, $0x1;
	s2 =	sadd.s32 s19, s18  }
0x9c: {  	s6 =	simm.s32 $0x0;
	s20 =	sshll.u32 s4, $0x1;
	s4 =	sadd.s32 s21, s2  }
0x9d: {  	[timem:s6], [sflag:s22] =	dma.local [hbm:s4], s20  }
0x9e: {  	_ =	swait.ge [sflag:s22], s20  }
0x9f: {  	s3 =	ssub.s32 $0x0, s20;
	[sflag:s22] =	ssyncset.done $0x0  }
0xa0: {  	[sflag:s22] =	ssyncadd.s32 s3;
	_ =	sdelay $0x1  }
0xa1: {  	s23 =	simm.s32 $0x1B8B  }
0xa2: {  	_ =	swait.ge [sflag:s23], $0x1  }
0xa3: {  	[sflag:s23] =	ssyncset.done $0x0  }
0xa4: {  	s25 =	simm.s32 $0x1B8E;
	s24 =	sld [smem:$0x3FFE];
	[sflag:s23] =	ssyncadd.s32 $0xFFFFFFFF  }
0xa5: {  	s26 =	simm.s32 $execute0_lowered;
	[smem:$0x3FD2] =	sst s25  }
0xa6: {  	s4 =	sshll.u32 s26, $0x1;
	_ =	strace $0x8000004C;
	[dreg:$0x1] =	wrdreg $0xFFFFFFFF  }
0xa7: {  	s28 =	simm.s32 $_size_execute0_lowered;
	s2 =	sadd.s32 s2, s4;
	[dreg:$0x0] =	wrdreg $0x0  }
0xa8: {  	s4 =	sshll.u32 s28, $0x1;
	[dreg:$0x2] =	wrdreg s2  }
0xa9: {  	[dreg:$0x3] =	wrdreg s4  }
0xaa: {  	[dreg:$0x4] =	wrdreg $0xC0  }
0xab: {  	_ =	task [dreg:s6], $0x5FFFF  }
0xac: {  	[dreg:$0x1] =	wrdreg $0xFFFFFFFF  }
0xad: {  	[dreg:$0x0] =	wrdreg $0x60  }
0xae: {  	[dreg:$0x2] =	wrdreg s24  }
0xaf: {  	[dreg:$0x3] =	wrdreg $0x8E800  }
0xb0: {  	[dreg:$0x4] =	wrdreg $0x9  }
0xb1: {  	_ =	task.clear_ibuf [dreg:s6], $0x5FFFF;
	_ =	strace $0x9000004C  }
0xb2: {  	s29 =	simm.s32 $0x9;
	_ =	strace $0x8000004E  }
0xb3: {  	_ =	swait.ge [sflag:s29], $0x1  }
0xb4: {  	[sflag:s29] =	ssyncadd.s32 $0xFFFFFFFF  }
0xb5: {  	_ =	strace $0x9000004E  }
0xb6: {  	_ =	sfence  }
0xb7: {  	s30 =	sld [smem:$0x0];
	_ =	sdelay $0x2  }
0xb8: {  	s31 =	sshll.u32 s1, $0xD;
	s1 =	sshrl.u32 s1, $0x2  }
0xb9: {  	s3 =	sand.u32 $0x4000, s31;
	s1 =	sadd.s32 s1, s30  }
0xba: {  	s0 =	sor.u32 s3, s0;
	s1 =	sshll.u32 s1, $0x11  }
0xbb: {  	s0 =	sor.u32 s1, s0  }
0xbc: {  	s0 =	sadd.s32 $0x8F2B, s0  }
0xbd: {  	[sflag:s0] =	ssyncadd.remote.s32 $0x1  }
0xbe: {  	_ =	sfence.sel $0xFFFF  }
0xbf: {  	[dreg:$0x0] =	wrdreg $0xFFFFFFFF;
	(pc) =	sbr.abs _section_cstart, $3  }
0xc0: {  	[dreg:$0x1] =	wrdreg $0xFFFFFFFF  }
0xc1: {  	_ =	task.clear_ibuf [dreg:s6], $0x2FFFF;
	_ =	strace $0x9FFFFFFF  }
0xc2: {  	(tm) =	ssettm $0x7FFFFFFF  }
0xc3: {  	_ =	shalt  }
tec
execute0_lowered:
.L_overlay_start_1:
0x0: {  	(tag) =	ssettag $0x1  }
0x1: {  	s0 =	srdreg.scid;
	s6 =	rddreg [dreg:$0x0]  }
0x2: {  	s2 =	rddreg [dreg:$0x1];
	s3 =	simm.s32 $0x0;
	s14 =	simm.s32 $0x7D  }
0x3: {  	s15 =	simm.s32 $0x5000;
	s5 =	sand.u32 $0x1, s0;
	s0 =	stileid.u32  }
0x4: {  	s16 =	simm.s32 $0x1;
	s17 =	simm.s32 $0x0;
	s7 =	smul.u32 $0x2800, s0  }
0x5: {  	[smem:$0x7FF] =	sst s3;
	s1 =	sshll.u32 s5, $0x4;
	s8 =	smul.u32 $0x28000, s5  }
0x6: {  	s10 =	ssub.s32 $0x2, s5;
	s11 =	smul.u32 $0x50000, s0;
	s5 =	sadd.s32 $0xDA00, s6  }
0x7: {  	s31 =	sshll.u32 s0, $0x6;
	s4 =	sor.u32 s0, s1;
	s1 =	rddreg [dreg:$0x2]  }
0x8: {  	_ =	strace $0x8000004D;
	s29 =	sshrl.u32 s10, $0x1;
	s4 =	smul.u32 $0x500, s4  }
0x9: {  	s7 =	sadd.s32 s7, s8;
	s10 =	ssub.s32 s10, s29;
	s30 =	sshrl.u32 s11, $0x2  }
0xa: {  	s11 =	simm.s32 $0x2800;
	s12 =	sadd.s32 s7, s6;
	s13 =	sadd.s32 s30, s2  }
0xb: {  	s9 =	sadd.s32 s4, s6;
	s4 =	sadd.s32 $0x71C00, s6;
	s8 =	sadd.s32 $0x98E00, s12  }
0xc: {  	s12 =	sor.u32 $0x1C02, s31;
	s13 =	sshrl.u32 s13, $0x3;
	s6 =	sadd.s32 $0x17C00, s9  }
0xd: {  	s7 =	sadd.s32 $0x3A00, s9;
	s9 =	smax.u32 s10, $0x1;
	s10 =	simm.s32 $0x2  }
.LBB2_1:
0xe: {  	[tilespmem:s3], [sflag:$0x2] =	stream.linear.gather [hbm4b:s6+s3], $0x2800, $0x38;
	[tilespmem:$0x1CE80] =	vst v63  }
0xf: {  	_ =	swait.ge [sflag:s10], $0x2800  }
0x10: {  	[sflag:s10] =	ssyncset.done $0x0  }
0x11: {  	[sflag:s10] =	ssyncadd.s32 $0xFFFFD800  }
0x12: {  	[tilespmem:s11], [sflag:$0x2] =	stream.linear.gather [hbm4b:s7+s3], $0x2800, $0x38;
	[tilespmem:$0x1CE80] =	vst v63  }
0x13: {  	_ =	swait.ge [sflag:s10], $0x2800  }
0x14: {  	[sflag:s10] =	ssyncset.done $0x0  }
0x15: {  	[sflag:s10] =	ssyncadd.s32 $0xFFFFD800  }
0x16: {  	[spmem:s13], [sflag:s12] =	dma.local [hbm:s5], $0x2800  }
0x17: {  	_ =	swait.ge [sflag:s10], $0x2800  }
0x18: {  	[sflag:s10] =	ssyncset.done $0x0  }
0x19: {  	[sflag:s10] =	ssyncadd.s32 $0xFFFFD800  }
0x1a: {  	s18 =	simm.s32 $0x0;
	[bflag:$0x0] =	sbarrier.arrive $0xFFFF  }
0x1b: {  	[tilespmem:s15], [sflag:$0x1] =	stream.indirect.gather [hbm4b:s4+s14], $0x80, s18, s14, $0xb8;
	[tilespmem:$0x1CE80] =	vst v63  }
0x1c: {  	_ =	swait.ge [sflag:s16], $0x3E80  }
0x1d: {  	[sflag:s16] =	ssyncset.done $0x0  }
0x1e: {  	s31 =	simm.s32 $0x2800;
	[sflag:s16] =	ssyncadd.s32 $0xFFFFC180  }
0x1f: {  	[spmem:s2] =	stream.indirect.scatter.add.f32 [tilespmem:s15], [sflag:$0x2], $0x80, s31, s14, $0xb8;
	[tilespmem:$0x1CE80] =	vst v63  }
0x20: {  	_ =	swait.ge [sflag:s10], $0x3E80  }
0x21: {  	s19 =	simm.s32 $0x400;
	s18 =	simm.s32 $0x200;
	[sflag:s10] =	ssyncset.done $0x0  }
.LBB2_2:
0x22: {  	s20 =	sshra.s32 s18, $0x2  }
0x23: {  	[sflag:s10] =	ssyncadd.s32 $0xFFFFC180;
	s18 =	smov.u32 s19;
	s21 =	sadd.s32 $0x200, s19  }
0x24: {  	[tilespmem:s15], [sflag:$0x1] =	stream.indirect.gather [hbm4b:s4+s14], $0x80, s20, s14, $0xb8;
	[tilespmem:$0x1CE80] =	vst v63  }
0x25: {  	p0 =	sne.s32 s19, $0x9E00;
	_ =	swait.ge [sflag:s16], $0x3E80  }
.Ltmp0:
0x26: {  	[sflag:s16] =	ssyncset.done $0x0;
	(pc) =	sbr.rel @p0 .LBB2_2-.Ltmp0, $4  }
0x27: {  	s19 =	sadd.s32 $0x2800, s20;
	[sflag:s16] =	ssyncadd.s32 $0xFFFFC180  }
0x28: {  	[spmem:s2] =	stream.indirect.scatter.add.f32 [tilespmem:s15], [sflag:$0x2], $0x80, s19, s14, $0xb8;
	[tilespmem:$0x1CE80] =	vst v63  }
0x29: {  	_ =	swait.ge [sflag:s10], $0x3E80  }
0x2a: {  	s19 =	smov.u32 s21;
	[sflag:s10] =	ssyncset.done $0x0  }
0x2b: {  	s18 =	sshra.s32 s18, $0x2;
	[sflag:s10] =	ssyncadd.s32 $0xFFFFC180  }
0x2c: {  	[tilespmem:s15], [sflag:$0x1] =	stream.indirect.gather [hbm4b:s4+s14], $0x80, s18, s14, $0xb8;
	[tilespmem:$0x1CE80] =	vst v63  }
0x2d: {  	_ =	swait.ge [sflag:s16], $0x3E80  }
0x2e: {  	[sflag:s16] =	ssyncset.done $0x0  }
0x2f: {  	s18 =	sadd.s32 $0x2800, s18;
	[sflag:s16] =	ssyncadd.s32 $0xFFFFC180  }
0x30: {  	[spmem:s2] =	stream.indirect.scatter.add.f32 [tilespmem:s15], [sflag:$0x2], $0x80, s18, s14, $0xb8;
	[tilespmem:$0x1CE80] =	vst v63  }
0x31: {  	_ =	swait.ge [sflag:s10], $0x3E80  }
0x32: {  	s17 =	sadd.s32 $0x1, s17;
	[sflag:s10] =	ssyncset.done $0x0  }
0x33: {  	p0 =	sne.s32 s17, s9;
	[sflag:s10] =	ssyncadd.s32 $0xFFFFC180  }
.Ltmp1:
0x34: {  	[bflag:$0x0] =	sbarrier.arrive $0xFFFF;
	(pc) =	sbr.rel @p0 .LBB2_1-.Ltmp1, $4  }
0x35: {  	[hbm:s8], [sflag:s12] =	dma.local [spmem:s13], $0x2800  }
0x36: {  	_ =	swait.ge [sflag:s10], $0x2800  }
0x37: {  	[sflag:s10] =	ssyncset.done $0x0  }
0x38: {  	[sflag:s10] =	ssyncadd.s32 $0xFFFFD800  }
0x39: {  	_ =	sfence.sel $0x180000  }
0x3a: {  	[bflag:$0x0] =	sbarrier.arrive $0xFFFF  }
0x3b: {  	p0 =	sne.s32 s0, $0x0;
	_ =	strace $0x9000004D  }
0x3c: {  	s0 =	sadd.s32 @!p0 $0x100000, s1;
	[bflag:$0x2] =	sbarrier.arrive $0xFFFF  }
0x3d: {  	[sflag:s0] =	ssyncadd.tile.s32 @!p0 $0x1;
	_ =	shalt  }
.Lfunc_end2:
_tile_overlayer_lowered:
.L_overlay_start_2:
0x3e: {  	(tag) =	ssettag $0x2  }
0x3f: {  	s0 =	rddreg [dreg:$0x0];
	s2 =	stileid.u32  }
0x40: {  	s1 =	rddreg [dreg:$0x1];
	p0 =	sne.s32 s2, $0x0  }
0x41: {  	s3 =	rddreg [dreg:$0x2];
	[bflag:$0x3] =	sbarrier.arrive $0xFFFF;
	s2 =	simm.s32 @!p0 $0x1C02  }
0x42: {  	[timem:s3], [sflag:s2] =	dma.local @!p0 [hbm:s0], s1  }
0x43: {  	s0 =	simm.s32 @!p0 $0x2  }
0x44: {  	_ =	swait.ge @!p0 [sflag:s0], s1  }
0x45: {  	s1 =	ssub.s32 @!p0 $0x0, s1;
	[sflag:s0] =	ssyncset.done @!p0 $0x0  }
0x46: {  	[sflag:s0] =	ssyncadd.s32 @!p0 s1  }
0x47: {  	[bflag:$0x3] =	sbarrier.arrive $0xFFFF  }
0x48: {  	_ =	shalt  }

// kernel: kernel.19.cloned.1.call-start
scs
__scs_entry_jumppad:
0x0: {  	(pc) =	sbr.rel $0x88, $3  }
0x1: {  	(tag) =	ssettag $0x0;
	lr =	simm.s32 $0x1  }
0x2: {  	[smem:$0x3F93] =	sst lr;
	_ =	strace $0xD0000000  }
0x3: {  	_ = 	snop  }
0x4: {  	_ = 	snop  }
0x5: {  	_ = 	snop  }
0x6: {  	_ = 	snop  }
0x7: {  	_ = 	snop  }
__scs_overlays_trampoline_lowered:
0x8: {  	[smem:$0x3FA2] =	sst s0  }
0x9: {  	[smem:$0x3FA3] =	sst s1  }
0xa: {  	[smem:$0x3FA4] =	sst s2  }
0xb: {  	[smem:$0x3FA5] =	sst s3  }
0xc: {  	[smem:$0x3FA6] =	sst s4  }
0xd: {  	[smem:$0x3FA7] =	sst s5  }
0xe: {  	[smem:$0x3FA8] =	sst s6  }
0xf: {  	[smem:$0x3FA9] =	sst s7  }
0x10: {  	[smem:$0x3FAA] =	sst s8  }
0x11: {  	[smem:$0x3FAB] =	sst s9;
	s0 =	simm.s32 @!p0 $0x0  }
0x12: {  	s1 =	sld [smem:$0x3F91];
	s0 =	simm.s32 @p0 $0x1  }
0x13: {  	[smem:$0x3FAC] =	sst s0;
	s0 =	simm.s32 @!p1 $0x0  }
0x14: {  	s2 =	sld [smem:$0x3F90];
	s0 =	simm.s32 @p1 $0x1  }
0x15: {  	[smem:$0x3FAD] =	sst s0;
	s0 =	simm.s32 @!p2 $0x0  }
0x16: {  	s3 =	sld [smem:$0x3FDB];
	s0 =	simm.s32 @p2 $0x1  }
0x17: {  	s4 =	simm.s32 $0x1BF5;
	[smem:$0x3FAF] =	sst s0  }
0x18: {  	s0 =	sld [smem:$0x3F92];
	_ =	swait.ge [sflag:s4], $0x0  }
0x19: {  	s7 =	sld [smem:$0x3F93]  }
0x1a: {  	s8 =	sadd.s32 $0xFFFFE003, lr  }
0x1b: {  	s9 =	sadd.s32 $0xFFFFFEF7, lr;
	s5 =	simm.s32 $0xFFFFFFFF;
	p2 =	slt.u32 s8, $0xFFFFF086  }
0x1c: {  	p1 =	slt.u32 s9, $0xF7A;
	s5 =	simm.s32 @!p2 $0x0  }
0x1d: {  	s5 =	simm.s32 @p1 $0x1;
	p0 =	seq.s32 s7, s2  }
0x1e: {  	s7 =	smul.u32 @!p0 $0xF7A, s2;
	p2 =	seq.s32 @!p0 s5, $0x0  }
0x1f: {  	s9 =	smul.u32 $0xF7A, s1;
	s8 =	simm.s32 @!p0 $0x1BF5;
	p2 =	por !p2, p0  }
0x20: {  	[sflag:s8] =	ssyncset.s32 @!p0 $0xFFFFF086;
	s6 =	sadd.s32 @!p0 s3, s7;
	s7 =	simm.s32 @!p0 $0x108  }
0x21: {  	s3 =	sadd.s32 s3, s9;
	s6 =	sadd.s32 @!p0 $0x88, s6;
	s7 =	simm.s32 @p2 $0x1082  }
0x22: {  	[simem:s7], [sflag:s8] =	dma.local @!p0 [hbm:s6], $0xF7A  }
0x23: {  	s9 =	sor.u32 $0xD0000000, s2;
	s6 =	simm.s32 $0x108;
	_ =	swait.ge @!p0 [sflag:s8], $0x0  }
0x24: {  	s3 =	sadd.s32 $0x88, s3;
	s6 =	simm.s32 @!p1 $0x1082;
	[sflag:s4] =	ssyncset.s32 $0xFFFFF086  }
0x25: {  	[simem:s6], [sflag:s4] =	dma.local [hbm:s3], $0xF7A  }
0x26: {  	[smem:$0x3F93] =	sst s1;
	(tag) =	ssettag s2;
	_ =	strace s9  }
0x27: {  	s1 =	sld [smem:$0x3FA3]  }
0x28: {  	s2 =	sld [smem:$0x3FA4]  }
0x29: {  	s4 =	sld [smem:$0x3FA6]  }
0x2a: {  	p0 =	seq.s32 s5, $0x0;
	s5 =	sld [smem:$0x3FA7]  }
0x2b: {  	s6 =	sld [smem:$0x3FA8]  }
0x2c: {  	s7 =	sld [smem:$0x3FA9]  }
0x2d: {  	s3 =	simm.s32 $0x108;
	s8 =	sld [smem:$0x3FAA]  }
0x2e: {  	s3 =	simm.s32 @!p0 $0x1082;
	s9 =	sld [smem:$0x3FAB]  }
0x2f: {  	lr =	sadd.s32 s0, s3;
	s0 =	sld [smem:$0x3FA2]  }
0x30: {  	s3 =	sld [smem:$0x3FA5]  }
0x31: {  	[smem:$0x3FAE] =	sst s10  }
0x32: {  	s10 =	sld [smem:$0x3FAC];
	_ =	sdelay $0x3  }
0x33: {  	p0 =	seq.s32 s10, $0x1;
	s10 =	sld [smem:$0x3FAE];
	_ =	sdelay $0x3  }
0x34: {  	[smem:$0x3FAE] =	sst s10  }
0x35: {  	s10 =	sld [smem:$0x3FAD];
	_ =	sdelay $0x3  }
0x36: {  	p1 =	seq.s32 s10, $0x1;
	s10 =	sld [smem:$0x3FAE];
	_ =	sdelay $0x3  }
0x37: {  	[smem:$0x3FAE] =	sst s10  }
0x38: {  	s10 =	sld [smem:$0x3FAF]  }
0x39: {  	_ = 	snop;
	(pc) =	sbr.ind lr, $3  }
0x3a: {  	_ = 	snop  }
0x3b: {  	_ = 	snop  }
0x3c: {  	p2 =	seq.s32 s10, $0x1;
	s10 =	sld [smem:$0x3FAE]  }
0x3d: {  	_ =	shalt  }
0x3e: {  	_ =	shalt  }
0x3f: {  	_ =	shalt  }
0x40: {  	_ =	shalt  }
0x41: {  	_ =	shalt  }
0x42: {  	_ =	shalt  }
0x43: {  	_ =	shalt  }
0x44: {  	_ =	shalt  }
0x45: {  	_ =	shalt  }
0x46: {  	_ =	shalt  }
0x47: {  	_ =	shalt  }
0x48: {  	_ =	shalt  }
0x49: {  	_ =	shalt  }
0x4a: {  	_ =	shalt  }
0x4b: {  	_ =	shalt  }
0x4c: {  	_ =	shalt  }
0x4d: {  	_ =	shalt  }
0x4e: {  	_ =	shalt  }
0x4f: {  	_ =	shalt  }
0x50: {  	_ =	shalt  }
0x51: {  	_ =	shalt  }
0x52: {  	_ =	shalt  }
0x53: {  	_ =	shalt  }
0x54: {  	_ =	shalt  }
0x55: {  	_ =	shalt  }
0x56: {  	_ =	shalt  }
0x57: {  	_ =	shalt  }
0x58: {  	_ =	shalt  }
0x59: {  	_ =	shalt  }
0x5a: {  	_ =	shalt  }
0x5b: {  	_ =	shalt  }
0x5c: {  	_ =	shalt  }
0x5d: {  	_ =	shalt  }
0x5e: {  	_ =	shalt  }
0x5f: {  	_ =	shalt  }
0x60: {  	_ =	shalt  }
0x61: {  	_ =	shalt  }
0x62: {  	_ =	shalt  }
0x63: {  	_ =	shalt  }
0x64: {  	_ =	shalt  }
0x65: {  	_ =	shalt  }
0x66: {  	_ =	shalt  }
0x67: {  	_ =	shalt  }
0x68: {  	_ =	shalt  }
0x69: {  	_ =	shalt  }
0x6a: {  	_ =	shalt  }
0x6b: {  	_ =	shalt  }
0x6c: {  	_ =	shalt  }
0x6d: {  	_ =	shalt  }
0x6e: {  	_ =	shalt  }
0x6f: {  	_ =	shalt  }
0x70: {  	_ =	shalt  }
0x71: {  	_ =	shalt  }
0x72: {  	_ =	shalt  }
0x73: {  	_ =	shalt  }
0x74: {  	_ =	shalt  }
0x75: {  	_ =	shalt  }
0x76: {  	_ =	shalt  }
0x77: {  	_ =	shalt  }
0x78: {  	_ =	shalt  }
0x79: {  	_ =	shalt  }
0x7a: {  	_ =	shalt  }
0x7b: {  	_ =	shalt  }
0x7c: {  	_ =	shalt  }
0x7d: {  	_ =	shalt  }
0x7e: {  	_ =	shalt  }
0x7f: {  	_ =	shalt  }
0x80: {  	_ =	shalt  }
0x81: {  	_ =	shalt  }
0x82: {  	_ =	shalt  }
0x83: {  	_ =	shalt  }
0x84: {  	_ =	shalt  }
0x85: {  	_ =	shalt  }
0x86: {  	_ =	shalt  }
0x87: {  	_ =	shalt  }
.Lfunc_end0:
.L_simem_size_0:
called_computation.3_lowered:
.L_overlay_start_0:
0x88: {  	s2 =	sld [smem:$0x3FD9]  }
0x89: {  	s3 =	sld [smem:$0x3FFE];
	_ =	sdelay $0x1  }
0x8a: {  	s1 =	srdreg.scid  }
0x8b: {  	s0 =	sand.u32 $0x1, s1  }
0x8c: {  	s16 =	sshll.u32 s0, $0xA;
	s2 =	sadd.s32 s3, s2  }
0x8d: {  	s2 =	sadd.s32 s2, s16  }
0x8e: {  	[smem:$0x3FBA] =	sst s2  }
0x8f: {  	_ = 	snop  }
0x90: {  	(tm) =	ssettm $0x1  }
0x91: {  	s17 =	sld [smem:$0x3FFB];
	_ =	sdelay $0x3  }
0x92: {  	_ =	strace s17  }
0x93: {  	s2 =	sld [smem:$0x3FFC];
	_ =	sdelay $0x3  }
0x94: {  	_ =	strace s2  }
0x95: {  	s2 =	sld [smem:$0x3FFD];
	_ =	sdelay $0x3  }
0x96: {  	_ =	strace s2  }
0x97: {  	_ =	strace $0x8FFFFFFF  }
0x98: {  	s18 =	sld [smem:$0x3FDB];
	_ =	sdelay $0x1  }
0x99: {  	s19 =	simm.s32 $_scs_section_size  }
0x9a: {  	s4 =	simm.s32 $_size__tile_overlayer_lowered;
	s5 =	simm.s32 $_tile_overlayer_lowered  }
0x9b: {  	s22 =	simm.s32 $0x1BFF;
	s21 =	sshll.u32 s5, $0x1;
	s2 =	sadd.s32 s19, s18  }
0x9c: {  	s6 =	simm.s32 $0x0;
	s20 =	sshll.u32 s4, $0x1;
	s4 =	sadd.s32 s21, s2  }
0x9d: {  	[timem:s6], [sflag:s22] =	dma.local [hbm:s4], s20  }
0x9e: {  	_ =	swait.ge [sflag:s22], s20  }
0x9f: {  	s3 =	ssub.s32 $0x0, s20;
	[sflag:s22] =	ssyncset.done $0x0  }
0xa0: {  	[sflag:s22] =	ssyncadd.s32 s3;
	_ =	sdelay $0x1  }
0xa1: {  	s23 =	simm.s32 $0x1B8B  }
0xa2: {  	_ =	swait.ge [sflag:s23], $0x1  }
0xa3: {  	[sflag:s23] =	ssyncset.done $0x0  }
0xa4: {  	s25 =	simm.s32 $0x1B8E;
	s24 =	sld [smem:$0x3FFE];
	[sflag:s23] =	ssyncadd.s32 $0xFFFFFFFF  }
0xa5: {  	s26 =	simm.s32 $execute0_lowered;
	[smem:$0x3FD2] =	sst s25  }
0xa6: {  	s4 =	sshll.u32 s26, $0x1;
	_ =	strace $0x8000004F;
	[dreg:$0x1] =	wrdreg $0xFFFFFFFF  }
0xa7: {  	s28 =	simm.s32 $_size_execute0_lowered;
	s2 =	sadd.s32 s2, s4;
	[dreg:$0x0] =	wrdreg $0x0  }
0xa8: {  	s4 =	sshll.u32 s28, $0x1;
	[dreg:$0x2] =	wrdreg s2  }
0xa9: {  	[dreg:$0x3] =	wrdreg s4  }
0xaa: {  	[dreg:$0x4] =	wrdreg $0xC0  }
0xab: {  	_ =	task [dreg:s6], $0x5FFFF  }
0xac: {  	[dreg:$0x1] =	wrdreg $0xFFFFFFFF  }
0xad: {  	[dreg:$0x0] =	wrdreg $0x60  }
0xae: {  	[dreg:$0x2] =	wrdreg s24  }
0xaf: {  	[dreg:$0x3] =	wrdreg $0x6F400  }
0xb0: {  	[dreg:$0x4] =	wrdreg $0x9  }
0xb1: {  	_ =	task.clear_ibuf [dreg:s6], $0x5FFFF;
	_ =	strace $0x9000004F  }
0xb2: {  	s29 =	simm.s32 $0x9;
	_ =	strace $0x80000051  }
0xb3: {  	_ =	swait.ge [sflag:s29], $0x1  }
0xb4: {  	[sflag:s29] =	ssyncadd.s32 $0xFFFFFFFF  }
0xb5: {  	_ =	strace $0x90000051  }
0xb6: {  	_ =	sfence  }
0xb7: {  	s30 =	sld [smem:$0x0];
	_ =	sdelay $0x2  }
0xb8: {  	s31 =	sshll.u32 s1, $0xD;
	s1 =	sshrl.u32 s1, $0x2  }
0xb9: {  	s3 =	sand.u32 $0x4000, s31;
	s1 =	sadd.s32 s1, s30  }
0xba: {  	s0 =	sor.u32 s3, s0;
	s1 =	sshll.u32 s1, $0x11  }
0xbb: {  	s0 =	sor.u32 s1, s0  }
0xbc: {  	s0 =	sadd.s32 $0x8F2B, s0  }
0xbd: {  	[sflag:s0] =	ssyncadd.remote.s32 $0x1  }
0xbe: {  	_ =	sfence.sel $0xFFFF  }
0xbf: {  	[dreg:$0x0] =	wrdreg $0xFFFFFFFF;
	(pc) =	sbr.abs _section_cstart, $3  }
0xc0: {  	[dreg:$0x1] =	wrdreg $0xFFFFFFFF  }
0xc1: {  	_ =	task.clear_ibuf [dreg:s6], $0x2FFFF;
	_ =	strace $0x9FFFFFFF  }
0xc2: {  	(tm) =	ssettm $0x7FFFFFFF  }
0xc3: {  	_ =	shalt  }
tec
execute0_lowered:
.L_overlay_start_1:
0x0: {  	(tag) =	ssettag $0x1  }
0x1: {  	s0 =	srdreg.scid;
	s6 =	rddreg [dreg:$0x0]  }
0x2: {  	s2 =	rddreg [dreg:$0x1];
	s3 =	simm.s32 $0x0;
	s14 =	simm.s32 $0x7D  }
0x3: {  	s15 =	simm.s32 $0x5000;
	s5 =	sand.u32 $0x1, s0;
	s0 =	stileid.u32  }
0x4: {  	s16 =	simm.s32 $0x1;
	s17 =	simm.s32 $0x0;
	s7 =	smul.u32 $0x1400, s0  }
0x5: {  	[smem:$0x7FF] =	sst s3;
	s1 =	sshll.u32 s5, $0x4;
	s8 =	smul.u32 $0x14000, s5  }
0x6: {  	s10 =	ssub.s32 $0x2, s5;
	s11 =	smul.u32 $0x28000, s0;
	s5 =	sadd.s32 $0xDA00, s6  }
0x7: {  	s31 =	sshll.u32 s0, $0x6;
	s4 =	sor.u32 s0, s1;
	s1 =	rddreg [dreg:$0x2]  }
0x8: {  	_ =	strace $0x80000050;
	s29 =	sshrl.u32 s10, $0x1;
	s4 =	smul.u32 $0x500, s4  }
0x9: {  	s7 =	sadd.s32 s7, s8;
	s10 =	ssub.s32 s10, s29;
	s30 =	sshrl.u32 s11, $0x2  }
0xa: {  	s11 =	simm.s32 $0x2800;
	s12 =	sadd.s32 s7, s6;
	s13 =	sadd.s32 s30, s2  }
0xb: {  	s9 =	sadd.s32 s4, s6;
	s4 =	sadd.s32 $0x71C00, s6;
	s8 =	sadd.s32 $0x85600, s12  }
0xc: {  	s12 =	sor.u32 $0x1C02, s31;
	s13 =	sshrl.u32 s13, $0x3;
	s6 =	sadd.s32 $0x17C00, s9  }
0xd: {  	s7 =	sadd.s32 $0x3A00, s9;
	s9 =	smax.u32 s10, $0x1;
	s10 =	simm.s32 $0x2  }
.LBB2_1:
0xe: {  	[tilespmem:s3], [sflag:$0x2] =	stream.linear.gather [hbm4b:s6+s3], $0x2800, $0x38;
	[tilespmem:$0x10F40] =	vst v63  }
0xf: {  	_ =	swait.ge [sflag:s10], $0x2800  }
0x10: {  	[sflag:s10] =	ssyncset.done $0x0  }
0x11: {  	[sflag:s10] =	ssyncadd.s32 $0xFFFFD800  }
0x12: {  	[tilespmem:s11], [sflag:$0x2] =	stream.linear.gather [hbm4b:s7+s3], $0x2800, $0x38;
	[tilespmem:$0x10F40] =	vst v63  }
0x13: {  	_ =	swait.ge [sflag:s10], $0x2800  }
0x14: {  	[sflag:s10] =	ssyncset.done $0x0  }
0x15: {  	[sflag:s10] =	ssyncadd.s32 $0xFFFFD800  }
0x16: {  	[spmem:s13], [sflag:s12] =	dma.local [hbm:s5], $0x1400  }
0x17: {  	_ =	swait.ge [sflag:s10], $0x1400  }
0x18: {  	[sflag:s10] =	ssyncset.done $0x0  }
0x19: {  	[sflag:s10] =	ssyncadd.s32 $0xFFFFEC00  }
0x1a: {  	s18 =	simm.s32 $0x0;
	[bflag:$0x0] =	sbarrier.arrive $0xFFFF  }
0x1b: {  	[tilespmem:s15], [sflag:$0x1] =	stream.indirect.gather [hbm4b:s4+s14], $0x40, s18, s14, $0xb8;
	[tilespmem:$0x10F40] =	vst v63  }
0x1c: {  	_ =	swait.ge [sflag:s16], $0x1F40  }
0x1d: {  	[sflag:s16] =	ssyncset.done $0x0  }
0x1e: {  	s31 =	simm.s32 $0x2800;
	[sflag:s16] =	ssyncadd.s32 $0xFFFFE0C0  }
0x1f: {  	[spmem:s2] =	stream.indirect.scatter.add.f32 [tilespmem:s15], [sflag:$0x2], $0x40, s31, s14, $0xb8;
	[tilespmem:$0x10F40] =	vst v63  }
0x20: {  	_ =	swait.ge [sflag:s10], $0x1F40  }
0x21: {  	s19 =	simm.s32 $0x400;
	s18 =	simm.s32 $0x200;
	[sflag:s10] =	ssyncset.done $0x0  }
.LBB2_2:
0x22: {  	s20 =	sshra.s32 s18, $0x2  }
0x23: {  	[sflag:s10] =	ssyncadd.s32 $0xFFFFE0C0;
	s18 =	smov.u32 s19;
	s21 =	sadd.s32 $0x200, s19  }
0x24: {  	[tilespmem:s15], [sflag:$0x1] =	stream.indirect.gather [hbm4b:s4+s14], $0x40, s20, s14, $0xb8;
	[tilespmem:$0x10F40] =	vst v63  }
0x25: {  	p0 =	sne.s32 s19, $0x9E00;
	_ =	swait.ge [sflag:s16], $0x1F40  }
.Ltmp0:
0x26: {  	[sflag:s16] =	ssyncset.done $0x0;
	(pc) =	sbr.rel @p0 .LBB2_2-.Ltmp0, $4  }
0x27: {  	s19 =	sadd.s32 $0x2800, s20;
	[sflag:s16] =	ssyncadd.s32 $0xFFFFE0C0  }
0x28: {  	[spmem:s2] =	stream.indirect.scatter.add.f32 [tilespmem:s15], [sflag:$0x2], $0x40, s19, s14, $0xb8;
	[tilespmem:$0x10F40] =	vst v63  }
0x29: {  	_ =	swait.ge [sflag:s10], $0x1F40  }
0x2a: {  	s19 =	smov.u32 s21;
	[sflag:s10] =	ssyncset.done $0x0  }
0x2b: {  	s18 =	sshra.s32 s18, $0x2;
	[sflag:s10] =	ssyncadd.s32 $0xFFFFE0C0  }
0x2c: {  	[tilespmem:s15], [sflag:$0x1] =	stream.indirect.gather [hbm4b:s4+s14], $0x40, s18, s14, $0xb8;
	[tilespmem:$0x10F40] =	vst v63  }
0x2d: {  	_ =	swait.ge [sflag:s16], $0x1F40  }
0x2e: {  	[sflag:s16] =	ssyncset.done $0x0  }
0x2f: {  	s18 =	sadd.s32 $0x2800, s18;
	[sflag:s16] =	ssyncadd.s32 $0xFFFFE0C0  }
0x30: {  	[spmem:s2] =	stream.indirect.scatter.add.f32 [tilespmem:s15], [sflag:$0x2], $0x40, s18, s14, $0xb8;
	[tilespmem:$0x10F40] =	vst v63  }
0x31: {  	_ =	swait.ge [sflag:s10], $0x1F40  }
0x32: {  	s17 =	sadd.s32 $0x1, s17;
	[sflag:s10] =	ssyncset.done $0x0  }
0x33: {  	p0 =	sne.s32 s17, s9;
	[sflag:s10] =	ssyncadd.s32 $0xFFFFE0C0  }
.Ltmp1:
0x34: {  	[bflag:$0x0] =	sbarrier.arrive $0xFFFF;
	(pc) =	sbr.rel @p0 .LBB2_1-.Ltmp1, $4  }
0x35: {  	[hbm:s8], [sflag:s12] =	dma.local [spmem:s13], $0x1400  }
0x36: {  	_ =	swait.ge [sflag:s10], $0x1400  }
0x37: {  	[sflag:s10] =	ssyncset.done $0x0  }
0x38: {  	[sflag:s10] =	ssyncadd.s32 $0xFFFFEC00  }
0x39: {  	_ =	sfence.sel $0x180000  }
0x3a: {  	[bflag:$0x0] =	sbarrier.arrive $0xFFFF  }
0x3b: {  	p0 =	sne.s32 s0, $0x0;
	_ =	strace $0x90000050  }
0x3c: {  	s0 =	sadd.s32 @!p0 $0x100000, s1;
	[bflag:$0x2] =	sbarrier.arrive $0xFFFF  }
0x3d: {  	[sflag:s0] =	ssyncadd.tile.s32 @!p0 $0x1;
	_ =	shalt  }
.Lfunc_end2:
_tile_overlayer_lowered:
.L_overlay_start_2:
0x3e: {  	(tag) =	ssettag $0x2  }
0x3f: {  	s0 =	rddreg [dreg:$0x0];
	s2 =	stileid.u32  }
0x40: {  	s1 =	rddreg [dreg:$0x1];
	p0 =	sne.s32 s2, $0x0  }
0x41: {  	s3 =	rddreg [dreg:$0x2];
	[bflag:$0x3] =	sbarrier.arrive $0xFFFF;
	s2 =	simm.s32 @!p0 $0x1C02  }
0x42: {  	[timem:s3], [sflag:s2] =	dma.local @!p0 [hbm:s0], s1  }
0x43: {  	s0 =	simm.s32 @!p0 $0x2  }
0x44: {  	_ =	swait.ge @!p0 [sflag:s0], s1  }
0x45: {  	s1 =	ssub.s32 @!p0 $0x0, s1;
	[sflag:s0] =	ssyncset.done @!p0 $0x0  }
0x46: {  	[sflag:s0] =	ssyncadd.s32 @!p0 s1  }
0x47: {  	[bflag:$0x3] =	sbarrier.arrive $0xFFFF  }
0x48: {  	_ =	shalt  }

</sc_bundles>
